<compile_context>
chip_gen: v7x
topology: tpu7x:2x2x1
jax: 0.10.2.dev20260603
libtpu: 0.0.44.dev20260713+nightly
codegen_flags: <defaults>
</compile_context>

<pallas_src>
import functools

import jax
import jax.numpy as jnp
from jax import lax
from jax.experimental import pallas as pl
from jax.experimental.pallas import tpu as pltpu
from jax.experimental.pallas import tpu_sc as plsc

_VOCAB = 1000000
_D = 32
_B = 16384
_H = 50
_NW = 32
_ROWS_W = _B // _NW
_K = 8
_NJ = _ROWS_W // _K

_mesh = plsc.VectorSubcoreMesh(core_axis_name="c", subcore_axis_name="s")


@functools.partial(
    pl.kernel,
    mesh=_mesh,
    out_type=jax.ShapeDtypeStruct((_B, _H, _D), jnp.float32),
    scratch_types=(
        [pltpu.VMEM((_ROWS_W, _H), jnp.int32)]
        + [pltpu.VMEM((_H, _D), jnp.float32) for _ in range(_K)]
        + [pltpu.SemaphoreType.DMA for _ in range(2 * _K)]
    ),
    compiler_params=pltpu.CompilerParams(use_tc_tiling_on_sc=False),
)
def _emb_sum(data_hbm, w_hbm, p_hbm, s_hbm, out_hbm, idx_v, *scratch):
    bufs = scratch[:_K]
    gsems = scratch[_K:2 * _K]
    osems = scratch[2 * _K:]

    wid = lax.axis_index("s") * 2 + lax.axis_index("c")
    base = wid * _ROWS_W
    pltpu.sync_copy(data_hbm.at[pl.ds(base, _ROWS_W)], idx_v)

    def fire_w(k, r):
        return pltpu.async_copy(w_hbm.at[idx_v.at[r]], bufs[k], gsems[k])

    def fire_p(k, r):
        return pltpu.async_copy(
            p_hbm.at[idx_v.at[r]], bufs[k], gsems[k], add=True)

    def fire_s(k, r):
        return pltpu.async_copy(
            s_hbm.at[idx_v.at[r]], bufs[k], gsems[k], add=True)

    def fire_out(k, r):
        return pltpu.async_copy(bufs[k], out_hbm.at[base + r], osems[k])

    def drain(k, n):
        for _ in range(n):
            pltpu.make_async_copy(
                w_hbm.at[pl.ds(0, _H)], bufs[k], gsems[k]).wait()

    descs = [fire_w(k, k) for k in range(_K)]
    pds = []
    for k in range(_K):
        descs[k].wait()
        pds.append(fire_p(k, k))
    for k in range(_K):
        pds[k].wait()
        fire_s(k, k)

    def body(j, _):
        outs = []
        for k in range(_K):
            drain(k, 1)
            outs.append(fire_out(k, (j - 1) * _K + k))
        wds = []
        for k in range(_K):
            outs[k].wait()
            wds.append(fire_w(k, j * _K + k))
        pds = []
        for k in range(_K):
            wds[k].wait()
            pds.append(fire_p(k, j * _K + k))
        for k in range(_K):
            pds[k].wait()
            fire_s(k, j * _K + k)
        return ()

    lax.fori_loop(1, _NJ, body, ())

    outs = []
    for k in range(_K):
        drain(k, 1)
        outs.append(fire_out(k, (_NJ - 1) * _K + k))
    for k in range(_K):
        outs[k].wait()


def kernel(data, W_word, W_pre, W_suf):
    return _emb_sum(data, W_word, W_pre, W_suf)

# --- scband reference (transcript-rebuilt; emitter-appended) ---
"""Pipeline reference for scband-my-embedding-19971597926560 (READ-ONLY COPY).

The authoritative reference and input builder live on the scoring server;
editing this copy changes nothing except your own understanding.
"""

import jax, jax.numpy as jnp
import numpy as np

VOCAB = 1000000
EMBED_DIM = 32
BATCH = 16384
HIST = 50

def setup_inputs(seed: int = 0) -> dict:
    key = jax.random.key(seed)
    k_data, k_w, k_p, k_s = jax.random.split(key, 4)
    data = jax.random.randint(k_data, (BATCH, HIST), 0, VOCAB, dtype=jnp.int64 if jax.config.jax_enable_x64 else jnp.int32).astype(jnp.int32)
    W_word = jax.random.normal(k_w, (VOCAB, EMBED_DIM), dtype=jnp.float32)
    W_pre = jax.random.normal(k_p, (VOCAB, EMBED_DIM), dtype=jnp.float32)
    W_suf = jax.random.normal(k_s, (VOCAB, EMBED_DIM), dtype=jnp.float32)
    return {"data": data, "W_word": W_word, "W_pre": W_pre, "W_suf": W_suf}

def reference(data, W_word, W_pre, W_suf):
    # flavor == 3: sum of word / prefix / suffix embeddings over the same indices
    w = jnp.take(W_word, data, axis=0)
    p = jnp.take(W_pre, data, axis=0)
    s = jnp.take(W_suf, data, axis=0)
    return w + p + s

if __name__ == "__main__":
    import jax
    _d = setup_inputs()
    print(jax.jit(kernel)(*tuple(_d.values())))

</pallas_src>

<mosaic_0001>
#map = affine_map<(d0, d1) -> (0, 0)>
#map1 = affine_map<(d0, d1) -> (0, 0, 0)>
module attributes {stable_mosaic.version = 14 : i64} {
  func.func @_emb_sum(%arg0: i32, %arg1: i32, %arg2: memref<16384x50xi32, #tpu.memory_space<hbm>>, %arg3: memref<1000000x32xf32, #tpu.memory_space<hbm>>, %arg4: memref<1000000x32xf32, #tpu.memory_space<hbm>>, %arg5: memref<1000000x32xf32, #tpu.memory_space<hbm>>, %arg6: memref<16384x50x32xf32, #tpu.memory_space<hbm>>, %arg7: memref<512x50xi32, #tpu.memory_space<vmem>>, %arg8: memref<50x32xf32, #tpu.memory_space<vmem>>, %arg9: memref<50x32xf32, #tpu.memory_space<vmem>>, %arg10: memref<50x32xf32, #tpu.memory_space<vmem>>, %arg11: memref<50x32xf32, #tpu.memory_space<vmem>>, %arg12: memref<50x32xf32, #tpu.memory_space<vmem>>, %arg13: memref<50x32xf32, #tpu.memory_space<vmem>>, %arg14: memref<50x32xf32, #tpu.memory_space<vmem>>, %arg15: memref<50x32xf32, #tpu.memory_space<vmem>>, %arg16: memref<!tpu.dma_semaphore, #tpu.memory_space<semaphore_mem>>, %arg17: memref<!tpu.dma_semaphore, #tpu.memory_space<semaphore_mem>>, %arg18: memref<!tpu.dma_semaphore, #tpu.memory_space<semaphore_mem>>, %arg19: memref<!tpu.dma_semaphore, #tpu.memory_space<semaphore_mem>>, %arg20: memref<!tpu.dma_semaphore, #tpu.memory_space<semaphore_mem>>, %arg21: memref<!tpu.dma_semaphore, #tpu.memory_space<semaphore_mem>>, %arg22: memref<!tpu.dma_semaphore, #tpu.memory_space<semaphore_mem>>, %arg23: memref<!tpu.dma_semaphore, #tpu.memory_space<semaphore_mem>>, %arg24: memref<!tpu.dma_semaphore, #tpu.memory_space<semaphore_mem>>, %arg25: memref<!tpu.dma_semaphore, #tpu.memory_space<semaphore_mem>>, %arg26: memref<!tpu.dma_semaphore, #tpu.memory_space<semaphore_mem>>, %arg27: memref<!tpu.dma_semaphore, #tpu.memory_space<semaphore_mem>>, %arg28: memref<!tpu.dma_semaphore, #tpu.memory_space<semaphore_mem>>, %arg29: memref<!tpu.dma_semaphore, #tpu.memory_space<semaphore_mem>>, %arg30: memref<!tpu.dma_semaphore, #tpu.memory_space<semaphore_mem>>, %arg31: memref<!tpu.dma_semaphore, #tpu.memory_space<semaphore_mem>>) attributes {dimension_semantics = [#tpu.dimension_semantics<core_parallel>, #tpu.dimension_semantics<subcore_parallel>], iteration_bounds = array<i64: 2, 16>, scalar_prefetch = 0 : i64, scratch_operands = 25 : i64, tpu.core_type = #tpu.core_type<sc_vector_subcore>, window_params = [{transform_indices = #map}, {transform_indices = #map}, {transform_indices = #map}, {transform_indices = #map}, {transform_indices = #map1}]} {
    %mul3A = arith.constant 2 : i32
    %mul3A_0 = arith.muli %arg1, %mul3A : i32
    %add3A = arith.addi %mul3A_0, %arg0 : i32
    %mul3A_1 = arith.constant 512 : i32
    %mul3A_2 = arith.muli %add3A, %mul3A_1 : i32
    "tpu.region"() ({
      %run_scoped3A = tpu.sem_alloc : memref<!tpu.dma_semaphore, #tpu.memory_space<semaphore_mem>>
      %dma_start3A_477 = arith.constant 0 : i32
      %dma_start3A_478 = tpu.memref_slice %arg2[%mul3A_2, %dma_start3A_477] : memref<16384x50xi32, #tpu.memory_space<hbm>> -> memref<512x50xi32, #tpu.memory_space<hbm>>
      %dma_start3A_479 = arith.constant 0 : i32
      %dma_start3A_480 = tpu.memref_slice %arg2[%mul3A_2, %dma_start3A_479] : memref<16384x50xi32, #tpu.memory_space<hbm>> -> memref<512x50xi32, #tpu.memory_space<hbm>>
      tpu.enqueue_dma source(%dma_start3A_480 : memref<512x50xi32, #tpu.memory_space<hbm>>) target(%arg7 : memref<512x50xi32, #tpu.memory_space<vmem>>) target_semaphore(%run_scoped3A : memref<!tpu.dma_semaphore, #tpu.memory_space<semaphore_mem>>)
      %dma_wait3A_481 = arith.constant 0 : i32
      %dma_wait3A_482 = tpu.memref_slice %arg2[%mul3A_2, %dma_wait3A_481] : memref<16384x50xi32, #tpu.memory_space<hbm>> -> memref<512x50xi32, #tpu.memory_space<hbm>>
      %dma_wait3A_483 = arith.constant 0 : i32
      %dma_wait3A_484 = tpu.memref_slice %arg2[%mul3A_2, %dma_wait3A_483] : memref<16384x50xi32, #tpu.memory_space<hbm>> -> memref<512x50xi32, #tpu.memory_space<hbm>>
      tpu.wait_dma2 semaphore(%run_scoped3A : memref<!tpu.dma_semaphore, #tpu.memory_space<semaphore_mem>>) src(%dma_wait3A_484 : memref<512x50xi32, #tpu.memory_space<hbm>>) dst(%arg7 : memref<512x50xi32, #tpu.memory_space<vmem>>)
      tpu.yield
    }) : () -> ()
    %dma_start3A = arith.constant 0 : i32
    %dma_start3A_3 = arith.constant 0 : i32
    %dma_start3A_4 = tpu.memref_slice %arg7[%dma_start3A, %dma_start3A_3] : memref<512x50xi32, #tpu.memory_space<vmem>> -> memref<1x50xi32, #tpu.memory_space<vmem>>
    %dma_start3A_5 = tpu.memref_squeeze %dma_start3A_4 : memref<1x50xi32, #tpu.memory_space<vmem>> -> memref<50xi32, #tpu.memory_space<vmem>>
    %dma_start3A_6 = arith.constant 0 : i32
    %dma_start3A_7 = arith.constant 0 : i32
    %dma_start3A_8 = tpu.memref_slice %arg3[%dma_start3A_6, %dma_start3A_7] : memref<1000000x32xf32, #tpu.memory_space<hbm>> -> memref<1000000x32xf32, #tpu.memory_space<hbm>>
    tpu.enqueue_indirect_dma source(%dma_start3A_8 : memref<1000000x32xf32, #tpu.memory_space<hbm>>) target(%arg8 : memref<50x32xf32, #tpu.memory_space<vmem>>) offsets(%dma_start3A_5 : memref<50xi32, #tpu.memory_space<vmem>>) semaphore(%arg16 : memref<!tpu.dma_semaphore, #tpu.memory_space<semaphore_mem>>)
    %dma_start3A_9 = arith.constant 1 : i32
    %dma_start3A_10 = arith.constant 0 : i32
    %dma_start3A_11 = tpu.memref_slice %arg7[%dma_start3A_9, %dma_start3A_10] : memref<512x50xi32, #tpu.memory_space<vmem>> -> memref<1x50xi32, #tpu.memory_space<vmem>>
    %dma_start3A_12 = tpu.memref_squeeze %dma_start3A_11 : memref<1x50xi32, #tpu.memory_space<vmem>> -> memref<50xi32, #tpu.memory_space<vmem>>
    %dma_start3A_13 = arith.constant 0 : i32
    %dma_start3A_14 = arith.constant 0 : i32
    %dma_start3A_15 = tpu.memref_slice %arg3[%dma_start3A_13, %dma_start3A_14] : memref<1000000x32xf32, #tpu.memory_space<hbm>> -> memref<1000000x32xf32, #tpu.memory_space<hbm>>
    tpu.enqueue_indirect_dma source(%dma_start3A_15 : memref<1000000x32xf32, #tpu.memory_space<hbm>>) target(%arg9 : memref<50x32xf32, #tpu.memory_space<vmem>>) offsets(%dma_start3A_12 : memref<50xi32, #tpu.memory_space<vmem>>) semaphore(%arg17 : memref<!tpu.dma_semaphore, #tpu.memory_space<semaphore_mem>>)
    %dma_start3A_16 = arith.constant 2 : i32
    %dma_start3A_17 = arith.constant 0 : i32
    %dma_start3A_18 = tpu.memref_slice %arg7[%dma_start3A_16, %dma_start3A_17] : memref<512x50xi32, #tpu.memory_space<vmem>> -> memref<1x50xi32, #tpu.memory_space<vmem>>
    %dma_start3A_19 = tpu.memref_squeeze %dma_start3A_18 : memref<1x50xi32, #tpu.memory_space<vmem>> -> memref<50xi32, #tpu.memory_space<vmem>>
    %dma_start3A_20 = arith.constant 0 : i32
    %dma_start3A_21 = arith.constant 0 : i32
    %dma_start3A_22 = tpu.memref_slice %arg3[%dma_start3A_20, %dma_start3A_21] : memref<1000000x32xf32, #tpu.memory_space<hbm>> -> memref<1000000x32xf32, #tpu.memory_space<hbm>>
    tpu.enqueue_indirect_dma source(%dma_start3A_22 : memref<1000000x32xf32, #tpu.memory_space<hbm>>) target(%arg10 : memref<50x32xf32, #tpu.memory_space<vmem>>) offsets(%dma_start3A_19 : memref<50xi32, #tpu.memory_space<vmem>>) semaphore(%arg18 : memref<!tpu.dma_semaphore, #tpu.memory_space<semaphore_mem>>)
    %dma_start3A_23 = arith.constant 3 : i32
    %dma_start3A_24 = arith.constant 0 : i32
    %dma_start3A_25 = tpu.memref_slice %arg7[%dma_start3A_23, %dma_start3A_24] : memref<512x50xi32, #tpu.memory_space<vmem>> -> memref<1x50xi32, #tpu.memory_space<vmem>>
    %dma_start3A_26 = tpu.memref_squeeze %dma_start3A_25 : memref<1x50xi32, #tpu.memory_space<vmem>> -> memref<50xi32, #tpu.memory_space<vmem>>
    %dma_start3A_27 = arith.constant 0 : i32
    %dma_start3A_28 = arith.constant 0 : i32
    %dma_start3A_29 = tpu.memref_slice %arg3[%dma_start3A_27, %dma_start3A_28] : memref<1000000x32xf32, #tpu.memory_space<hbm>> -> memref<1000000x32xf32, #tpu.memory_space<hbm>>
    tpu.enqueue_indirect_dma source(%dma_start3A_29 : memref<1000000x32xf32, #tpu.memory_space<hbm>>) target(%arg11 : memref<50x32xf32, #tpu.memory_space<vmem>>) offsets(%dma_start3A_26 : memref<50xi32, #tpu.memory_space<vmem>>) semaphore(%arg19 : memref<!tpu.dma_semaphore, #tpu.memory_space<semaphore_mem>>)
    %dma_start3A_30 = arith.constant 4 : i32
    %dma_start3A_31 = arith.constant 0 : i32
    %dma_start3A_32 = tpu.memref_slice %arg7[%dma_start3A_30, %dma_start3A_31] : memref<512x50xi32, #tpu.memory_space<vmem>> -> memref<1x50xi32, #tpu.memory_space<vmem>>
    %dma_start3A_33 = tpu.memref_squeeze %dma_start3A_32 : memref<1x50xi32, #tpu.memory_space<vmem>> -> memref<50xi32, #tpu.memory_space<vmem>>
    %dma_start3A_34 = arith.constant 0 : i32
    %dma_start3A_35 = arith.constant 0 : i32
    %dma_start3A_36 = tpu.memref_slice %arg3[%dma_start3A_34, %dma_start3A_35] : memref<1000000x32xf32, #tpu.memory_space<hbm>> -> memref<1000000x32xf32, #tpu.memory_space<hbm>>
    tpu.enqueue_indirect_dma source(%dma_start3A_36 : memref<1000000x32xf32, #tpu.memory_space<hbm>>) target(%arg12 : memref<50x32xf32, #tpu.memory_space<vmem>>) offsets(%dma_start3A_33 : memref<50xi32, #tpu.memory_space<vmem>>) semaphore(%arg20 : memref<!tpu.dma_semaphore, #tpu.memory_space<semaphore_mem>>)
    %dma_start3A_37 = arith.constant 5 : i32
    %dma_start3A_38 = arith.constant 0 : i32
    %dma_start3A_39 = tpu.memref_slice %arg7[%dma_start3A_37, %dma_start3A_38] : memref<512x50xi32, #tpu.memory_space<vmem>> -> memref<1x50xi32, #tpu.memory_space<vmem>>
    %dma_start3A_40 = tpu.memref_squeeze %dma_start3A_39 : memref<1x50xi32, #tpu.memory_space<vmem>> -> memref<50xi32, #tpu.memory_space<vmem>>
    %dma_start3A_41 = arith.constant 0 : i32
    %dma_start3A_42 = arith.constant 0 : i32
    %dma_start3A_43 = tpu.memref_slice %arg3[%dma_start3A_41, %dma_start3A_42] : memref<1000000x32xf32, #tpu.memory_space<hbm>> -> memref<1000000x32xf32, #tpu.memory_space<hbm>>
    tpu.enqueue_indirect_dma source(%dma_start3A_43 : memref<1000000x32xf32, #tpu.memory_space<hbm>>) target(%arg13 : memref<50x32xf32, #tpu.memory_space<vmem>>) offsets(%dma_start3A_40 : memref<50xi32, #tpu.memory_space<vmem>>) semaphore(%arg21 : memref<!tpu.dma_semaphore, #tpu.memory_space<semaphore_mem>>)
    %dma_start3A_44 = arith.constant 6 : i32
    %dma_start3A_45 = arith.constant 0 : i32
    %dma_start3A_46 = tpu.memref_slice %arg7[%dma_start3A_44, %dma_start3A_45] : memref<512x50xi32, #tpu.memory_space<vmem>> -> memref<1x50xi32, #tpu.memory_space<vmem>>
    %dma_start3A_47 = tpu.memref_squeeze %dma_start3A_46 : memref<1x50xi32, #tpu.memory_space<vmem>> -> memref<50xi32, #tpu.memory_space<vmem>>
    %dma_start3A_48 = arith.constant 0 : i32
    %dma_start3A_49 = arith.constant 0 : i32
    %dma_start3A_50 = tpu.memref_slice %arg3[%dma_start3A_48, %dma_start3A_49] : memref<1000000x32xf32, #tpu.memory_space<hbm>> -> memref<1000000x32xf32, #tpu.memory_space<hbm>>
    tpu.enqueue_indirect_dma source(%dma_start3A_50 : memref<1000000x32xf32, #tpu.memory_space<hbm>>) target(%arg14 : memref<50x32xf32, #tpu.memory_space<vmem>>) offsets(%dma_start3A_47 : memref<50xi32, #tpu.memory_space<vmem>>) semaphore(%arg22 : memref<!tpu.dma_semaphore, #tpu.memory_space<semaphore_mem>>)
    %dma_start3A_51 = arith.constant 7 : i32
    %dma_start3A_52 = arith.constant 0 : i32
    %dma_start3A_53 = tpu.memref_slice %arg7[%dma_start3A_51, %dma_start3A_52] : memref<512x50xi32, #tpu.memory_space<vmem>> -> memref<1x50xi32, #tpu.memory_space<vmem>>
    %dma_start3A_54 = tpu.memref_squeeze %dma_start3A_53 : memref<1x50xi32, #tpu.memory_space<vmem>> -> memref<50xi32, #tpu.memory_space<vmem>>
    %dma_start3A_55 = arith.constant 0 : i32
    %dma_start3A_56 = arith.constant 0 : i32
    %dma_start3A_57 = tpu.memref_slice %arg3[%dma_start3A_55, %dma_start3A_56] : memref<1000000x32xf32, #tpu.memory_space<hbm>> -> memref<1000000x32xf32, #tpu.memory_space<hbm>>
    tpu.enqueue_indirect_dma source(%dma_start3A_57 : memref<1000000x32xf32, #tpu.memory_space<hbm>>) target(%arg15 : memref<50x32xf32, #tpu.memory_space<vmem>>) offsets(%dma_start3A_54 : memref<50xi32, #tpu.memory_space<vmem>>) semaphore(%arg23 : memref<!tpu.dma_semaphore, #tpu.memory_space<semaphore_mem>>)
    %dma_wait3A = arith.constant 0 : i32
    %dma_wait3A_58 = arith.constant 0 : i32
    %dma_wait3A_59 = tpu.memref_slice %arg7[%dma_wait3A, %dma_wait3A_58] : memref<512x50xi32, #tpu.memory_space<vmem>> -> memref<1x50xi32, #tpu.memory_space<vmem>>
    %dma_wait3A_60 = tpu.memref_squeeze %dma_wait3A_59 : memref<1x50xi32, #tpu.memory_space<vmem>> -> memref<50xi32, #tpu.memory_space<vmem>>
    %dma_wait3A_61 = arith.constant 0 : i32
    %dma_wait3A_62 = arith.constant 0 : i32
    %dma_wait3A_63 = tpu.memref_slice %arg3[%dma_wait3A_61, %dma_wait3A_62] : memref<1000000x32xf32, #tpu.memory_space<hbm>> -> memref<1000000x32xf32, #tpu.memory_space<hbm>>
    tpu.wait_indirect_dma semaphore(%arg16 : memref<!tpu.dma_semaphore, #tpu.memory_space<semaphore_mem>>) src(%dma_wait3A_63 : memref<1000000x32xf32, #tpu.memory_space<hbm>>) dst(%arg8 : memref<50x32xf32, #tpu.memory_space<vmem>>)
    %dma_start3A_64 = arith.constant 0 : i32
    %dma_start3A_65 = arith.constant 0 : i32
    %dma_start3A_66 = tpu.memref_slice %arg7[%dma_start3A_64, %dma_start3A_65] : memref<512x50xi32, #tpu.memory_space<vmem>> -> memref<1x50xi32, #tpu.memory_space<vmem>>
    %dma_start3A_67 = tpu.memref_squeeze %dma_start3A_66 : memref<1x50xi32, #tpu.memory_space<vmem>> -> memref<50xi32, #tpu.memory_space<vmem>>
    %dma_start3A_68 = arith.constant 0 : i32
    %dma_start3A_69 = arith.constant 0 : i32
    %dma_start3A_70 = tpu.memref_slice %arg4[%dma_start3A_68, %dma_start3A_69] : memref<1000000x32xf32, #tpu.memory_space<hbm>> -> memref<1000000x32xf32, #tpu.memory_space<hbm>>
    tpu.enqueue_indirect_dma source(%dma_start3A_70 : memref<1000000x32xf32, #tpu.memory_space<hbm>>) target(%arg8 : memref<50x32xf32, #tpu.memory_space<vmem>>) offsets(%dma_start3A_67 : memref<50xi32, #tpu.memory_space<vmem>>) semaphore(%arg16 : memref<!tpu.dma_semaphore, #tpu.memory_space<semaphore_mem>>) {add = true}
    %dma_wait3A_71 = arith.constant 1 : i32
    %dma_wait3A_72 = arith.constant 0 : i32
    %dma_wait3A_73 = tpu.memref_slice %arg7[%dma_wait3A_71, %dma_wait3A_72] : memref<512x50xi32, #tpu.memory_space<vmem>> -> memref<1x50xi32, #tpu.memory_space<vmem>>
    %dma_wait3A_74 = tpu.memref_squeeze %dma_wait3A_73 : memref<1x50xi32, #tpu.memory_space<vmem>> -> memref<50xi32, #tpu.memory_space<vmem>>
    %dma_wait3A_75 = arith.constant 0 : i32
    %dma_wait3A_76 = arith.constant 0 : i32
    %dma_wait3A_77 = tpu.memref_slice %arg3[%dma_wait3A_75, %dma_wait3A_76] : memref<1000000x32xf32, #tpu.memory_space<hbm>> -> memref<1000000x32xf32, #tpu.memory_space<hbm>>
    tpu.wait_indirect_dma semaphore(%arg17 : memref<!tpu.dma_semaphore, #tpu.memory_space<semaphore_mem>>) src(%dma_wait3A_77 : memref<1000000x32xf32, #tpu.memory_space<hbm>>) dst(%arg9 : memref<50x32xf32, #tpu.memory_space<vmem>>)
    %dma_start3A_78 = arith.constant 1 : i32
    %dma_start3A_79 = arith.constant 0 : i32
    %dma_start3A_80 = tpu.memref_slice %arg7[%dma_start3A_78, %dma_start3A_79] : memref<512x50xi32, #tpu.memory_space<vmem>> -> memref<1x50xi32, #tpu.memory_space<vmem>>
    %dma_start3A_81 = tpu.memref_squeeze %dma_start3A_80 : memref<1x50xi32, #tpu.memory_space<vmem>> -> memref<50xi32, #tpu.memory_space<vmem>>
    %dma_start3A_82 = arith.constant 0 : i32
    %dma_start3A_83 = arith.constant 0 : i32
    %dma_start3A_84 = tpu.memref_slice %arg4[%dma_start3A_82, %dma_start3A_83] : memref<1000000x32xf32, #tpu.memory_space<hbm>> -> memref<1000000x32xf32, #tpu.memory_space<hbm>>
    tpu.enqueue_indirect_dma source(%dma_start3A_84 : memref<1000000x32xf32, #tpu.memory_space<hbm>>) target(%arg9 : memref<50x32xf32, #tpu.memory_space<vmem>>) offsets(%dma_start3A_81 : memref<50xi32, #tpu.memory_space<vmem>>) semaphore(%arg17 : memref<!tpu.dma_semaphore, #tpu.memory_space<semaphore_mem>>) {add = true}
    %dma_wait3A_85 = arith.constant 2 : i32
    %dma_wait3A_86 = arith.constant 0 : i32
    %dma_wait3A_87 = tpu.memref_slice %arg7[%dma_wait3A_85, %dma_wait3A_86] : memref<512x50xi32, #tpu.memory_space<vmem>> -> memref<1x50xi32, #tpu.memory_space<vmem>>
    %dma_wait3A_88 = tpu.memref_squeeze %dma_wait3A_87 : memref<1x50xi32, #tpu.memory_space<vmem>> -> memref<50xi32, #tpu.memory_space<vmem>>
    %dma_wait3A_89 = arith.constant 0 : i32
    %dma_wait3A_90 = arith.constant 0 : i32
    %dma_wait3A_91 = tpu.memref_slice %arg3[%dma_wait3A_89, %dma_wait3A_90] : memref<1000000x32xf32, #tpu.memory_space<hbm>> -> memref<1000000x32xf32, #tpu.memory_space<hbm>>
    tpu.wait_indirect_dma semaphore(%arg18 : memref<!tpu.dma_semaphore, #tpu.memory_space<semaphore_mem>>) src(%dma_wait3A_91 : memref<1000000x32xf32, #tpu.memory_space<hbm>>) dst(%arg10 : memref<50x32xf32, #tpu.memory_space<vmem>>)
    %dma_start3A_92 = arith.constant 2 : i32
    %dma_start3A_93 = arith.constant 0 : i32
    %dma_start3A_94 = tpu.memref_slice %arg7[%dma_start3A_92, %dma_start3A_93] : memref<512x50xi32, #tpu.memory_space<vmem>> -> memref<1x50xi32, #tpu.memory_space<vmem>>
    %dma_start3A_95 = tpu.memref_squeeze %dma_start3A_94 : memref<1x50xi32, #tpu.memory_space<vmem>> -> memref<50xi32, #tpu.memory_space<vmem>>
    %dma_start3A_96 = arith.constant 0 : i32
    %dma_start3A_97 = arith.constant 0 : i32
    %dma_start3A_98 = tpu.memref_slice %arg4[%dma_start3A_96, %dma_start3A_97] : memref<1000000x32xf32, #tpu.memory_space<hbm>> -> memref<1000000x32xf32, #tpu.memory_space<hbm>>
    tpu.enqueue_indirect_dma source(%dma_start3A_98 : memref<1000000x32xf32, #tpu.memory_space<hbm>>) target(%arg10 : memref<50x32xf32, #tpu.memory_space<vmem>>) offsets(%dma_start3A_95 : memref<50xi32, #tpu.memory_space<vmem>>) semaphore(%arg18 : memref<!tpu.dma_semaphore, #tpu.memory_space<semaphore_mem>>) {add = true}
    %dma_wait3A_99 = arith.constant 3 : i32
    %dma_wait3A_100 = arith.constant 0 : i32
    %dma_wait3A_101 = tpu.memref_slice %arg7[%dma_wait3A_99, %dma_wait3A_100] : memref<512x50xi32, #tpu.memory_space<vmem>> -> memref<1x50xi32, #tpu.memory_space<vmem>>
    %dma_wait3A_102 = tpu.memref_squeeze %dma_wait3A_101 : memref<1x50xi32, #tpu.memory_space<vmem>> -> memref<50xi32, #tpu.memory_space<vmem>>
    %dma_wait3A_103 = arith.constant 0 : i32
    %dma_wait3A_104 = arith.constant 0 : i32
    %dma_wait3A_105 = tpu.memref_slice %arg3[%dma_wait3A_103, %dma_wait3A_104] : memref<1000000x32xf32, #tpu.memory_space<hbm>> -> memref<1000000x32xf32, #tpu.memory_space<hbm>>
    tpu.wait_indirect_dma semaphore(%arg19 : memref<!tpu.dma_semaphore, #tpu.memory_space<semaphore_mem>>) src(%dma_wait3A_105 : memref<1000000x32xf32, #tpu.memory_space<hbm>>) dst(%arg11 : memref<50x32xf32, #tpu.memory_space<vmem>>)
    %dma_start3A_106 = arith.constant 3 : i32
    %dma_start3A_107 = arith.constant 0 : i32
    %dma_start3A_108 = tpu.memref_slice %arg7[%dma_start3A_106, %dma_start3A_107] : memref<512x50xi32, #tpu.memory_space<vmem>> -> memref<1x50xi32, #tpu.memory_space<vmem>>
    %dma_start3A_109 = tpu.memref_squeeze %dma_start3A_108 : memref<1x50xi32, #tpu.memory_space<vmem>> -> memref<50xi32, #tpu.memory_space<vmem>>
    %dma_start3A_110 = arith.constant 0 : i32
    %dma_start3A_111 = arith.constant 0 : i32
    %dma_start3A_112 = tpu.memref_slice %arg4[%dma_start3A_110, %dma_start3A_111] : memref<1000000x32xf32, #tpu.memory_space<hbm>> -> memref<1000000x32xf32, #tpu.memory_space<hbm>>
    tpu.enqueue_indirect_dma source(%dma_start3A_112 : memref<1000000x32xf32, #tpu.memory_space<hbm>>) target(%arg11 : memref<50x32xf32, #tpu.memory_space<vmem>>) offsets(%dma_start3A_109 : memref<50xi32, #tpu.memory_space<vmem>>) semaphore(%arg19 : memref<!tpu.dma_semaphore, #tpu.memory_space<semaphore_mem>>) {add = true}
    %dma_wait3A_113 = arith.constant 4 : i32
    %dma_wait3A_114 = arith.constant 0 : i32
    %dma_wait3A_115 = tpu.memref_slice %arg7[%dma_wait3A_113, %dma_wait3A_114] : memref<512x50xi32, #tpu.memory_space<vmem>> -> memref<1x50xi32, #tpu.memory_space<vmem>>
    %dma_wait3A_116 = tpu.memref_squeeze %dma_wait3A_115 : memref<1x50xi32, #tpu.memory_space<vmem>> -> memref<50xi32, #tpu.memory_space<vmem>>
    %dma_wait3A_117 = arith.constant 0 : i32
    %dma_wait3A_118 = arith.constant 0 : i32
    %dma_wait3A_119 = tpu.memref_slice %arg3[%dma_wait3A_117, %dma_wait3A_118] : memref<1000000x32xf32, #tpu.memory_space<hbm>> -> memref<1000000x32xf32, #tpu.memory_space<hbm>>
    tpu.wait_indirect_dma semaphore(%arg20 : memref<!tpu.dma_semaphore, #tpu.memory_space<semaphore_mem>>) src(%dma_wait3A_119 : memref<1000000x32xf32, #tpu.memory_space<hbm>>) dst(%arg12 : memref<50x32xf32, #tpu.memory_space<vmem>>)
    %dma_start3A_120 = arith.constant 4 : i32
    %dma_start3A_121 = arith.constant 0 : i32
    %dma_start3A_122 = tpu.memref_slice %arg7[%dma_start3A_120, %dma_start3A_121] : memref<512x50xi32, #tpu.memory_space<vmem>> -> memref<1x50xi32, #tpu.memory_space<vmem>>
    %dma_start3A_123 = tpu.memref_squeeze %dma_start3A_122 : memref<1x50xi32, #tpu.memory_space<vmem>> -> memref<50xi32, #tpu.memory_space<vmem>>
    %dma_start3A_124 = arith.constant 0 : i32
    %dma_start3A_125 = arith.constant 0 : i32
    %dma_start3A_126 = tpu.memref_slice %arg4[%dma_start3A_124, %dma_start3A_125] : memref<1000000x32xf32, #tpu.memory_space<hbm>> -> memref<1000000x32xf32, #tpu.memory_space<hbm>>
    tpu.enqueue_indirect_dma source(%dma_start3A_126 : memref<1000000x32xf32, #tpu.memory_space<hbm>>) target(%arg12 : memref<50x32xf32, #tpu.memory_space<vmem>>) offsets(%dma_start3A_123 : memref<50xi32, #tpu.memory_space<vmem>>) semaphore(%arg20 : memref<!tpu.dma_semaphore, #tpu.memory_space<semaphore_mem>>) {add = true}
    %dma_wait3A_127 = arith.constant 5 : i32
    %dma_wait3A_128 = arith.constant 0 : i32
    %dma_wait3A_129 = tpu.memref_slice %arg7[%dma_wait3A_127, %dma_wait3A_128] : memref<512x50xi32, #tpu.memory_space<vmem>> -> memref<1x50xi32, #tpu.memory_space<vmem>>
    %dma_wait3A_130 = tpu.memref_squeeze %dma_wait3A_129 : memref<1x50xi32, #tpu.memory_space<vmem>> -> memref<50xi32, #tpu.memory_space<vmem>>
    %dma_wait3A_131 = arith.constant 0 : i32
    %dma_wait3A_132 = arith.constant 0 : i32
    %dma_wait3A_133 = tpu.memref_slice %arg3[%dma_wait3A_131, %dma_wait3A_132] : memref<1000000x32xf32, #tpu.memory_space<hbm>> -> memref<1000000x32xf32, #tpu.memory_space<hbm>>
    tpu.wait_indirect_dma semaphore(%arg21 : memref<!tpu.dma_semaphore, #tpu.memory_space<semaphore_mem>>) src(%dma_wait3A_133 : memref<1000000x32xf32, #tpu.memory_space<hbm>>) dst(%arg13 : memref<50x32xf32, #tpu.memory_space<vmem>>)
    %dma_start3A_134 = arith.constant 5 : i32
    %dma_start3A_135 = arith.constant 0 : i32
    %dma_start3A_136 = tpu.memref_slice %arg7[%dma_start3A_134, %dma_start3A_135] : memref<512x50xi32, #tpu.memory_space<vmem>> -> memref<1x50xi32, #tpu.memory_space<vmem>>
    %dma_start3A_137 = tpu.memref_squeeze %dma_start3A_136 : memref<1x50xi32, #tpu.memory_space<vmem>> -> memref<50xi32, #tpu.memory_space<vmem>>
    %dma_start3A_138 = arith.constant 0 : i32
    %dma_start3A_139 = arith.constant 0 : i32
    %dma_start3A_140 = tpu.memref_slice %arg4[%dma_start3A_138, %dma_start3A_139] : memref<1000000x32xf32, #tpu.memory_space<hbm>> -> memref<1000000x32xf32, #tpu.memory_space<hbm>>
    tpu.enqueue_indirect_dma source(%dma_start3A_140 : memref<1000000x32xf32, #tpu.memory_space<hbm>>) target(%arg13 : memref<50x32xf32, #tpu.memory_space<vmem>>) offsets(%dma_start3A_137 : memref<50xi32, #tpu.memory_space<vmem>>) semaphore(%arg21 : memref<!tpu.dma_semaphore, #tpu.memory_space<semaphore_mem>>) {add = true}
    %dma_wait3A_141 = arith.constant 6 : i32
    %dma_wait3A_142 = arith.constant 0 : i32
    %dma_wait3A_143 = tpu.memref_slice %arg7[%dma_wait3A_141, %dma_wait3A_142] : memref<512x50xi32, #tpu.memory_space<vmem>> -> memref<1x50xi32, #tpu.memory_space<vmem>>
    %dma_wait3A_144 = tpu.memref_squeeze %dma_wait3A_143 : memref<1x50xi32, #tpu.memory_space<vmem>> -> memref<50xi32, #tpu.memory_space<vmem>>
    %dma_wait3A_145 = arith.constant 0 : i32
    %dma_wait3A_146 = arith.constant 0 : i32
    %dma_wait3A_147 = tpu.memref_slice %arg3[%dma_wait3A_145, %dma_wait3A_146] : memref<1000000x32xf32, #tpu.memory_space<hbm>> -> memref<1000000x32xf32, #tpu.memory_space<hbm>>
    tpu.wait_indirect_dma semaphore(%arg22 : memref<!tpu.dma_semaphore, #tpu.memory_space<semaphore_mem>>) src(%dma_wait3A_147 : memref<1000000x32xf32, #tpu.memory_space<hbm>>) dst(%arg14 : memref<50x32xf32, #tpu.memory_space<vmem>>)
    %dma_start3A_148 = arith.constant 6 : i32
    %dma_start3A_149 = arith.constant 0 : i32
    %dma_start3A_150 = tpu.memref_slice %arg7[%dma_start3A_148, %dma_start3A_149] : memref<512x50xi32, #tpu.memory_space<vmem>> -> memref<1x50xi32, #tpu.memory_space<vmem>>
    %dma_start3A_151 = tpu.memref_squeeze %dma_start3A_150 : memref<1x50xi32, #tpu.memory_space<vmem>> -> memref<50xi32, #tpu.memory_space<vmem>>
    %dma_start3A_152 = arith.constant 0 : i32
    %dma_start3A_153 = arith.constant 0 : i32
    %dma_start3A_154 = tpu.memref_slice %arg4[%dma_start3A_152, %dma_start3A_153] : memref<1000000x32xf32, #tpu.memory_space<hbm>> -> memref<1000000x32xf32, #tpu.memory_space<hbm>>
    tpu.enqueue_indirect_dma source(%dma_start3A_154 : memref<1000000x32xf32, #tpu.memory_space<hbm>>) target(%arg14 : memref<50x32xf32, #tpu.memory_space<vmem>>) offsets(%dma_start3A_151 : memref<50xi32, #tpu.memory_space<vmem>>) semaphore(%arg22 : memref<!tpu.dma_semaphore, #tpu.memory_space<semaphore_mem>>) {add = true}
    %dma_wait3A_155 = arith.constant 7 : i32
    %dma_wait3A_156 = arith.constant 0 : i32
    %dma_wait3A_157 = tpu.memref_slice %arg7[%dma_wait3A_155, %dma_wait3A_156] : memref<512x50xi32, #tpu.memory_space<vmem>> -> memref<1x50xi32, #tpu.memory_space<vmem>>
    %dma_wait3A_158 = tpu.memref_squeeze %dma_wait3A_157 : memref<1x50xi32, #tpu.memory_space<vmem>> -> memref<50xi32, #tpu.memory_space<vmem>>
    %dma_wait3A_159 = arith.constant 0 : i32
    %dma_wait3A_160 = arith.constant 0 : i32
    %dma_wait3A_161 = tpu.memref_slice %arg3[%dma_wait3A_159, %dma_wait3A_160] : memref<1000000x32xf32, #tpu.memory_space<hbm>> -> memref<1000000x32xf32, #tpu.memory_space<hbm>>
    tpu.wait_indirect_dma semaphore(%arg23 : memref<!tpu.dma_semaphore, #tpu.memory_space<semaphore_mem>>) src(%dma_wait3A_161 : memref<1000000x32xf32, #tpu.memory_space<hbm>>) dst(%arg15 : memref<50x32xf32, #tpu.memory_space<vmem>>)
    %dma_start3A_162 = arith.constant 7 : i32
    %dma_start3A_163 = arith.constant 0 : i32
    %dma_start3A_164 = tpu.memref_slice %arg7[%dma_start3A_162, %dma_start3A_163] : memref<512x50xi32, #tpu.memory_space<vmem>> -> memref<1x50xi32, #tpu.memory_space<vmem>>
    %dma_start3A_165 = tpu.memref_squeeze %dma_start3A_164 : memref<1x50xi32, #tpu.memory_space<vmem>> -> memref<50xi32, #tpu.memory_space<vmem>>
    %dma_start3A_166 = arith.constant 0 : i32
    %dma_start3A_167 = arith.constant 0 : i32
    %dma_start3A_168 = tpu.memref_slice %arg4[%dma_start3A_166, %dma_start3A_167] : memref<1000000x32xf32, #tpu.memory_space<hbm>> -> memref<1000000x32xf32, #tpu.memory_space<hbm>>
    tpu.enqueue_indirect_dma source(%dma_start3A_168 : memref<1000000x32xf32, #tpu.memory_space<hbm>>) target(%arg15 : memref<50x32xf32, #tpu.memory_space<vmem>>) offsets(%dma_start3A_165 : memref<50xi32, #tpu.memory_space<vmem>>) semaphore(%arg23 : memref<!tpu.dma_semaphore, #tpu.memory_space<semaphore_mem>>) {add = true}
    %dma_wait3A_169 = arith.constant 0 : i32
    %dma_wait3A_170 = arith.constant 0 : i32
    %dma_wait3A_171 = tpu.memref_slice %arg7[%dma_wait3A_169, %dma_wait3A_170] : memref<512x50xi32, #tpu.memory_space<vmem>> -> memref<1x50xi32, #tpu.memory_space<vmem>>
    %dma_wait3A_172 = tpu.memref_squeeze %dma_wait3A_171 : memref<1x50xi32, #tpu.memory_space<vmem>> -> memref<50xi32, #tpu.memory_space<vmem>>
    %dma_wait3A_173 = arith.constant 0 : i32
    %dma_wait3A_174 = arith.constant 0 : i32
    %dma_wait3A_175 = tpu.memref_slice %arg4[%dma_wait3A_173, %dma_wait3A_174] : memref<1000000x32xf32, #tpu.memory_space<hbm>> -> memref<1000000x32xf32, #tpu.memory_space<hbm>>
    tpu.wait_indirect_dma semaphore(%arg16 : memref<!tpu.dma_semaphore, #tpu.memory_space<semaphore_mem>>) src(%dma_wait3A_175 : memref<1000000x32xf32, #tpu.memory_space<hbm>>) dst(%arg8 : memref<50x32xf32, #tpu.memory_space<vmem>>)
    %dma_start3A_176 = arith.constant 0 : i32
    %dma_start3A_177 = arith.constant 0 : i32
    %dma_start3A_178 = tpu.memref_slice %arg7[%dma_start3A_176, %dma_start3A_177] : memref<512x50xi32, #tpu.memory_space<vmem>> -> memref<1x50xi32, #tpu.memory_space<vmem>>
    %dma_start3A_179 = tpu.memref_squeeze %dma_start3A_178 : memref<1x50xi32, #tpu.memory_space<vmem>> -> memref<50xi32, #tpu.memory_space<vmem>>
    %dma_start3A_180 = arith.constant 0 : i32
    %dma_start3A_181 = arith.constant 0 : i32
    %dma_start3A_182 = tpu.memref_slice %arg5[%dma_start3A_180, %dma_start3A_181] : memref<1000000x32xf32, #tpu.memory_space<hbm>> -> memref<1000000x32xf32, #tpu.memory_space<hbm>>
    tpu.enqueue_indirect_dma source(%dma_start3A_182 : memref<1000000x32xf32, #tpu.memory_space<hbm>>) target(%arg8 : memref<50x32xf32, #tpu.memory_space<vmem>>) offsets(%dma_start3A_179 : memref<50xi32, #tpu.memory_space<vmem>>) semaphore(%arg16 : memref<!tpu.dma_semaphore, #tpu.memory_space<semaphore_mem>>) {add = true}
    %dma_wait3A_183 = arith.constant 1 : i32
    %dma_wait3A_184 = arith.constant 0 : i32
    %dma_wait3A_185 = tpu.memref_slice %arg7[%dma_wait3A_183, %dma_wait3A_184] : memref<512x50xi32, #tpu.memory_space<vmem>> -> memref<1x50xi32, #tpu.memory_space<vmem>>
    %dma_wait3A_186 = tpu.memref_squeeze %dma_wait3A_185 : memref<1x50xi32, #tpu.memory_space<vmem>> -> memref<50xi32, #tpu.memory_space<vmem>>
    %dma_wait3A_187 = arith.constant 0 : i32
    %dma_wait3A_188 = arith.constant 0 : i32
    %dma_wait3A_189 = tpu.memref_slice %arg4[%dma_wait3A_187, %dma_wait3A_188] : memref<1000000x32xf32, #tpu.memory_space<hbm>> -> memref<1000000x32xf32, #tpu.memory_space<hbm>>
    tpu.wait_indirect_dma semaphore(%arg17 : memref<!tpu.dma_semaphore, #tpu.memory_space<semaphore_mem>>) src(%dma_wait3A_189 : memref<1000000x32xf32, #tpu.memory_space<hbm>>) dst(%arg9 : memref<50x32xf32, #tpu.memory_space<vmem>>)
    %dma_start3A_190 = arith.constant 1 : i32
    %dma_start3A_191 = arith.constant 0 : i32
    %dma_start3A_192 = tpu.memref_slice %arg7[%dma_start3A_190, %dma_start3A_191] : memref<512x50xi32, #tpu.memory_space<vmem>> -> memref<1x50xi32, #tpu.memory_space<vmem>>
    %dma_start3A_193 = tpu.memref_squeeze %dma_start3A_192 : memref<1x50xi32, #tpu.memory_space<vmem>> -> memref<50xi32, #tpu.memory_space<vmem>>
    %dma_start3A_194 = arith.constant 0 : i32
    %dma_start3A_195 = arith.constant 0 : i32
    %dma_start3A_196 = tpu.memref_slice %arg5[%dma_start3A_194, %dma_start3A_195] : memref<1000000x32xf32, #tpu.memory_space<hbm>> -> memref<1000000x32xf32, #tpu.memory_space<hbm>>
    tpu.enqueue_indirect_dma source(%dma_start3A_196 : memref<1000000x32xf32, #tpu.memory_space<hbm>>) target(%arg9 : memref<50x32xf32, #tpu.memory_space<vmem>>) offsets(%dma_start3A_193 : memref<50xi32, #tpu.memory_space<vmem>>) semaphore(%arg17 : memref<!tpu.dma_semaphore, #tpu.memory_space<semaphore_mem>>) {add = true}
    %dma_wait3A_197 = arith.constant 2 : i32
    %dma_wait3A_198 = arith.constant 0 : i32
    %dma_wait3A_199 = tpu.memref_slice %arg7[%dma_wait3A_197, %dma_wait3A_198] : memref<512x50xi32, #tpu.memory_space<vmem>> -> memref<1x50xi32, #tpu.memory_space<vmem>>
    %dma_wait3A_200 = tpu.memref_squeeze %dma_wait3A_199 : memref<1x50xi32, #tpu.memory_space<vmem>> -> memref<50xi32, #tpu.memory_space<vmem>>
    %dma_wait3A_201 = arith.constant 0 : i32
    %dma_wait3A_202 = arith.constant 0 : i32
    %dma_wait3A_203 = tpu.memref_slice %arg4[%dma_wait3A_201, %dma_wait3A_202] : memref<1000000x32xf32, #tpu.memory_space<hbm>> -> memref<1000000x32xf32, #tpu.memory_space<hbm>>
    tpu.wait_indirect_dma semaphore(%arg18 : memref<!tpu.dma_semaphore, #tpu.memory_space<semaphore_mem>>) src(%dma_wait3A_203 : memref<1000000x32xf32, #tpu.memory_space<hbm>>) dst(%arg10 : memref<50x32xf32, #tpu.memory_space<vmem>>)
    %dma_start3A_204 = arith.constant 2 : i32
    %dma_start3A_205 = arith.constant 0 : i32
    %dma_start3A_206 = tpu.memref_slice %arg7[%dma_start3A_204, %dma_start3A_205] : memref<512x50xi32, #tpu.memory_space<vmem>> -> memref<1x50xi32, #tpu.memory_space<vmem>>
    %dma_start3A_207 = tpu.memref_squeeze %dma_start3A_206 : memref<1x50xi32, #tpu.memory_space<vmem>> -> memref<50xi32, #tpu.memory_space<vmem>>
    %dma_start3A_208 = arith.constant 0 : i32
    %dma_start3A_209 = arith.constant 0 : i32
    %dma_start3A_210 = tpu.memref_slice %arg5[%dma_start3A_208, %dma_start3A_209] : memref<1000000x32xf32, #tpu.memory_space<hbm>> -> memref<1000000x32xf32, #tpu.memory_space<hbm>>
    tpu.enqueue_indirect_dma source(%dma_start3A_210 : memref<1000000x32xf32, #tpu.memory_space<hbm>>) target(%arg10 : memref<50x32xf32, #tpu.memory_space<vmem>>) offsets(%dma_start3A_207 : memref<50xi32, #tpu.memory_space<vmem>>) semaphore(%arg18 : memref<!tpu.dma_semaphore, #tpu.memory_space<semaphore_mem>>) {add = true}
    %dma_wait3A_211 = arith.constant 3 : i32
    %dma_wait3A_212 = arith.constant 0 : i32
    %dma_wait3A_213 = tpu.memref_slice %arg7[%dma_wait3A_211, %dma_wait3A_212] : memref<512x50xi32, #tpu.memory_space<vmem>> -> memref<1x50xi32, #tpu.memory_space<vmem>>
    %dma_wait3A_214 = tpu.memref_squeeze %dma_wait3A_213 : memref<1x50xi32, #tpu.memory_space<vmem>> -> memref<50xi32, #tpu.memory_space<vmem>>
    %dma_wait3A_215 = arith.constant 0 : i32
    %dma_wait3A_216 = arith.constant 0 : i32
    %dma_wait3A_217 = tpu.memref_slice %arg4[%dma_wait3A_215, %dma_wait3A_216] : memref<1000000x32xf32, #tpu.memory_space<hbm>> -> memref<1000000x32xf32, #tpu.memory_space<hbm>>
    tpu.wait_indirect_dma semaphore(%arg19 : memref<!tpu.dma_semaphore, #tpu.memory_space<semaphore_mem>>) src(%dma_wait3A_217 : memref<1000000x32xf32, #tpu.memory_space<hbm>>) dst(%arg11 : memref<50x32xf32, #tpu.memory_space<vmem>>)
    %dma_start3A_218 = arith.constant 3 : i32
    %dma_start3A_219 = arith.constant 0 : i32
    %dma_start3A_220 = tpu.memref_slice %arg7[%dma_start3A_218, %dma_start3A_219] : memref<512x50xi32, #tpu.memory_space<vmem>> -> memref<1x50xi32, #tpu.memory_space<vmem>>
    %dma_start3A_221 = tpu.memref_squeeze %dma_start3A_220 : memref<1x50xi32, #tpu.memory_space<vmem>> -> memref<50xi32, #tpu.memory_space<vmem>>
    %dma_start3A_222 = arith.constant 0 : i32
    %dma_start3A_223 = arith.constant 0 : i32
    %dma_start3A_224 = tpu.memref_slice %arg5[%dma_start3A_222, %dma_start3A_223] : memref<1000000x32xf32, #tpu.memory_space<hbm>> -> memref<1000000x32xf32, #tpu.memory_space<hbm>>
    tpu.enqueue_indirect_dma source(%dma_start3A_224 : memref<1000000x32xf32, #tpu.memory_space<hbm>>) target(%arg11 : memref<50x32xf32, #tpu.memory_space<vmem>>) offsets(%dma_start3A_221 : memref<50xi32, #tpu.memory_space<vmem>>) semaphore(%arg19 : memref<!tpu.dma_semaphore, #tpu.memory_space<semaphore_mem>>) {add = true}
    %dma_wait3A_225 = arith.constant 4 : i32
    %dma_wait3A_226 = arith.constant 0 : i32
    %dma_wait3A_227 = tpu.memref_slice %arg7[%dma_wait3A_225, %dma_wait3A_226] : memref<512x50xi32, #tpu.memory_space<vmem>> -> memref<1x50xi32, #tpu.memory_space<vmem>>
    %dma_wait3A_228 = tpu.memref_squeeze %dma_wait3A_227 : memref<1x50xi32, #tpu.memory_space<vmem>> -> memref<50xi32, #tpu.memory_space<vmem>>
    %dma_wait3A_229 = arith.constant 0 : i32
    %dma_wait3A_230 = arith.constant 0 : i32
    %dma_wait3A_231 = tpu.memref_slice %arg4[%dma_wait3A_229, %dma_wait3A_230] : memref<1000000x32xf32, #tpu.memory_space<hbm>> -> memref<1000000x32xf32, #tpu.memory_space<hbm>>
    tpu.wait_indirect_dma semaphore(%arg20 : memref<!tpu.dma_semaphore, #tpu.memory_space<semaphore_mem>>) src(%dma_wait3A_231 : memref<1000000x32xf32, #tpu.memory_space<hbm>>) dst(%arg12 : memref<50x32xf32, #tpu.memory_space<vmem>>)
    %dma_start3A_232 = arith.constant 4 : i32
    %dma_start3A_233 = arith.constant 0 : i32
    %dma_start3A_234 = tpu.memref_slice %arg7[%dma_start3A_232, %dma_start3A_233] : memref<512x50xi32, #tpu.memory_space<vmem>> -> memref<1x50xi32, #tpu.memory_space<vmem>>
    %dma_start3A_235 = tpu.memref_squeeze %dma_start3A_234 : memref<1x50xi32, #tpu.memory_space<vmem>> -> memref<50xi32, #tpu.memory_space<vmem>>
    %dma_start3A_236 = arith.constant 0 : i32
    %dma_start3A_237 = arith.constant 0 : i32
    %dma_start3A_238 = tpu.memref_slice %arg5[%dma_start3A_236, %dma_start3A_237] : memref<1000000x32xf32, #tpu.memory_space<hbm>> -> memref<1000000x32xf32, #tpu.memory_space<hbm>>
    tpu.enqueue_indirect_dma source(%dma_start3A_238 : memref<1000000x32xf32, #tpu.memory_space<hbm>>) target(%arg12 : memref<50x32xf32, #tpu.memory_space<vmem>>) offsets(%dma_start3A_235 : memref<50xi32, #tpu.memory_space<vmem>>) semaphore(%arg20 : memref<!tpu.dma_semaphore, #tpu.memory_space<semaphore_mem>>) {add = true}
    %dma_wait3A_239 = arith.constant 5 : i32
    %dma_wait3A_240 = arith.constant 0 : i32
    %dma_wait3A_241 = tpu.memref_slice %arg7[%dma_wait3A_239, %dma_wait3A_240] : memref<512x50xi32, #tpu.memory_space<vmem>> -> memref<1x50xi32, #tpu.memory_space<vmem>>
    %dma_wait3A_242 = tpu.memref_squeeze %dma_wait3A_241 : memref<1x50xi32, #tpu.memory_space<vmem>> -> memref<50xi32, #tpu.memory_space<vmem>>
    %dma_wait3A_243 = arith.constant 0 : i32
    %dma_wait3A_244 = arith.constant 0 : i32
    %dma_wait3A_245 = tpu.memref_slice %arg4[%dma_wait3A_243, %dma_wait3A_244] : memref<1000000x32xf32, #tpu.memory_space<hbm>> -> memref<1000000x32xf32, #tpu.memory_space<hbm>>
    tpu.wait_indirect_dma semaphore(%arg21 : memref<!tpu.dma_semaphore, #tpu.memory_space<semaphore_mem>>) src(%dma_wait3A_245 : memref<1000000x32xf32, #tpu.memory_space<hbm>>) dst(%arg13 : memref<50x32xf32, #tpu.memory_space<vmem>>)
    %dma_start3A_246 = arith.constant 5 : i32
    %dma_start3A_247 = arith.constant 0 : i32
    %dma_start3A_248 = tpu.memref_slice %arg7[%dma_start3A_246, %dma_start3A_247] : memref<512x50xi32, #tpu.memory_space<vmem>> -> memref<1x50xi32, #tpu.memory_space<vmem>>
    %dma_start3A_249 = tpu.memref_squeeze %dma_start3A_248 : memref<1x50xi32, #tpu.memory_space<vmem>> -> memref<50xi32, #tpu.memory_space<vmem>>
    %dma_start3A_250 = arith.constant 0 : i32
    %dma_start3A_251 = arith.constant 0 : i32
    %dma_start3A_252 = tpu.memref_slice %arg5[%dma_start3A_250, %dma_start3A_251] : memref<1000000x32xf32, #tpu.memory_space<hbm>> -> memref<1000000x32xf32, #tpu.memory_space<hbm>>
    tpu.enqueue_indirect_dma source(%dma_start3A_252 : memref<1000000x32xf32, #tpu.memory_space<hbm>>) target(%arg13 : memref<50x32xf32, #tpu.memory_space<vmem>>) offsets(%dma_start3A_249 : memref<50xi32, #tpu.memory_space<vmem>>) semaphore(%arg21 : memref<!tpu.dma_semaphore, #tpu.memory_space<semaphore_mem>>) {add = true}
    %dma_wait3A_253 = arith.constant 6 : i32
    %dma_wait3A_254 = arith.constant 0 : i32
    %dma_wait3A_255 = tpu.memref_slice %arg7[%dma_wait3A_253, %dma_wait3A_254] : memref<512x50xi32, #tpu.memory_space<vmem>> -> memref<1x50xi32, #tpu.memory_space<vmem>>
    %dma_wait3A_256 = tpu.memref_squeeze %dma_wait3A_255 : memref<1x50xi32, #tpu.memory_space<vmem>> -> memref<50xi32, #tpu.memory_space<vmem>>
    %dma_wait3A_257 = arith.constant 0 : i32
    %dma_wait3A_258 = arith.constant 0 : i32
    %dma_wait3A_259 = tpu.memref_slice %arg4[%dma_wait3A_257, %dma_wait3A_258] : memref<1000000x32xf32, #tpu.memory_space<hbm>> -> memref<1000000x32xf32, #tpu.memory_space<hbm>>
    tpu.wait_indirect_dma semaphore(%arg22 : memref<!tpu.dma_semaphore, #tpu.memory_space<semaphore_mem>>) src(%dma_wait3A_259 : memref<1000000x32xf32, #tpu.memory_space<hbm>>) dst(%arg14 : memref<50x32xf32, #tpu.memory_space<vmem>>)
    %dma_start3A_260 = arith.constant 6 : i32
    %dma_start3A_261 = arith.constant 0 : i32
    %dma_start3A_262 = tpu.memref_slice %arg7[%dma_start3A_260, %dma_start3A_261] : memref<512x50xi32, #tpu.memory_space<vmem>> -> memref<1x50xi32, #tpu.memory_space<vmem>>
    %dma_start3A_263 = tpu.memref_squeeze %dma_start3A_262 : memref<1x50xi32, #tpu.memory_space<vmem>> -> memref<50xi32, #tpu.memory_space<vmem>>
    %dma_start3A_264 = arith.constant 0 : i32
    %dma_start3A_265 = arith.constant 0 : i32
    %dma_start3A_266 = tpu.memref_slice %arg5[%dma_start3A_264, %dma_start3A_265] : memref<1000000x32xf32, #tpu.memory_space<hbm>> -> memref<1000000x32xf32, #tpu.memory_space<hbm>>
    tpu.enqueue_indirect_dma source(%dma_start3A_266 : memref<1000000x32xf32, #tpu.memory_space<hbm>>) target(%arg14 : memref<50x32xf32, #tpu.memory_space<vmem>>) offsets(%dma_start3A_263 : memref<50xi32, #tpu.memory_space<vmem>>) semaphore(%arg22 : memref<!tpu.dma_semaphore, #tpu.memory_space<semaphore_mem>>) {add = true}
    %dma_wait3A_267 = arith.constant 7 : i32
    %dma_wait3A_268 = arith.constant 0 : i32
    %dma_wait3A_269 = tpu.memref_slice %arg7[%dma_wait3A_267, %dma_wait3A_268] : memref<512x50xi32, #tpu.memory_space<vmem>> -> memref<1x50xi32, #tpu.memory_space<vmem>>
    %dma_wait3A_270 = tpu.memref_squeeze %dma_wait3A_269 : memref<1x50xi32, #tpu.memory_space<vmem>> -> memref<50xi32, #tpu.memory_space<vmem>>
    %dma_wait3A_271 = arith.constant 0 : i32
    %dma_wait3A_272 = arith.constant 0 : i32
    %dma_wait3A_273 = tpu.memref_slice %arg4[%dma_wait3A_271, %dma_wait3A_272] : memref<1000000x32xf32, #tpu.memory_space<hbm>> -> memref<1000000x32xf32, #tpu.memory_space<hbm>>
    tpu.wait_indirect_dma semaphore(%arg23 : memref<!tpu.dma_semaphore, #tpu.memory_space<semaphore_mem>>) src(%dma_wait3A_273 : memref<1000000x32xf32, #tpu.memory_space<hbm>>) dst(%arg15 : memref<50x32xf32, #tpu.memory_space<vmem>>)
    %dma_start3A_274 = arith.constant 7 : i32
    %dma_start3A_275 = arith.constant 0 : i32
    %dma_start3A_276 = tpu.memref_slice %arg7[%dma_start3A_274, %dma_start3A_275] : memref<512x50xi32, #tpu.memory_space<vmem>> -> memref<1x50xi32, #tpu.memory_space<vmem>>
    %dma_start3A_277 = tpu.memref_squeeze %dma_start3A_276 : memref<1x50xi32, #tpu.memory_space<vmem>> -> memref<50xi32, #tpu.memory_space<vmem>>
    %dma_start3A_278 = arith.constant 0 : i32
    %dma_start3A_279 = arith.constant 0 : i32
    %dma_start3A_280 = tpu.memref_slice %arg5[%dma_start3A_278, %dma_start3A_279] : memref<1000000x32xf32, #tpu.memory_space<hbm>> -> memref<1000000x32xf32, #tpu.memory_space<hbm>>
    tpu.enqueue_indirect_dma source(%dma_start3A_280 : memref<1000000x32xf32, #tpu.memory_space<hbm>>) target(%arg15 : memref<50x32xf32, #tpu.memory_space<vmem>>) offsets(%dma_start3A_277 : memref<50xi32, #tpu.memory_space<vmem>>) semaphore(%arg23 : memref<!tpu.dma_semaphore, #tpu.memory_space<semaphore_mem>>) {add = true}
    %scan3A = arith.constant 1 : i32
    %scan3A_281 = arith.constant 63 : i32
    %scan3A_282 = arith.addi %scan3A, %scan3A_281 : i32
    %scan3A_283 = arith.constant 1 : i32
    scf.for %scan3A_477 = %scan3A to %scan3A_282 step %scan3A_283  : i32 {
      %dma_wait3A_478 = arith.constant 0 : i32
      %dma_wait3A_479 = arith.constant 0 : i32
      %dma_wait3A_480 = tpu.memref_slice %arg3[%dma_wait3A_478, %dma_wait3A_479] : memref<1000000x32xf32, #tpu.memory_space<hbm>> -> memref<50x32xf32, #tpu.memory_space<hbm>>
      %dma_wait3A_481 = arith.constant 0 : i32
      %dma_wait3A_482 = arith.constant 0 : i32
      %dma_wait3A_483 = tpu.memref_slice %arg3[%dma_wait3A_481, %dma_wait3A_482] : memref<1000000x32xf32, #tpu.memory_space<hbm>> -> memref<50x32xf32, #tpu.memory_space<hbm>>
      tpu.wait_dma2 semaphore(%arg16 : memref<!tpu.dma_semaphore, #tpu.memory_space<semaphore_mem>>) src(%dma_wait3A_483 : memref<50x32xf32, #tpu.memory_space<hbm>>) dst(%arg8 : memref<50x32xf32, #tpu.memory_space<vmem>>)
      %sub3A = arith.constant 1 : i32
      %sub3A_484 = arith.subi %scan3A_477, %sub3A : i32
      %mul3A_485 = arith.constant 8 : i32
      %mul3A_486 = arith.muli %sub3A_484, %mul3A_485 : i32
      %add3A_487 = arith.constant 0 : i32
      %add3A_488 = arith.addi %mul3A_486, %add3A_487 : i32
      %add3A_489 = arith.addi %mul3A_2, %add3A_488 : i32
      %dma_start3A_490 = arith.constant 0 : i32
      %dma_start3A_491 = arith.constant 0 : i32
      %dma_start3A_492 = tpu.memref_slice %arg6[%add3A_489, %dma_start3A_490, %dma_start3A_491] : memref<16384x50x32xf32, #tpu.memory_space<hbm>> -> memref<1x50x32xf32, #tpu.memory_space<hbm>>
      %dma_start3A_493 = tpu.memref_squeeze %dma_start3A_492 : memref<1x50x32xf32, #tpu.memory_space<hbm>> -> memref<50x32xf32, #tpu.memory_space<hbm>>
      %dma_start3A_494 = arith.constant 0 : i32
      %dma_start3A_495 = arith.constant 0 : i32
      %dma_start3A_496 = tpu.memref_slice %arg6[%add3A_489, %dma_start3A_494, %dma_start3A_495] : memref<16384x50x32xf32, #tpu.memory_space<hbm>> -> memref<1x50x32xf32, #tpu.memory_space<hbm>>
      %dma_start3A_497 = tpu.memref_squeeze %dma_start3A_496 : memref<1x50x32xf32, #tpu.memory_space<hbm>> -> memref<50x32xf32, #tpu.memory_space<hbm>>
      tpu.enqueue_dma source(%arg8 : memref<50x32xf32, #tpu.memory_space<vmem>>) target(%dma_start3A_497 : memref<50x32xf32, #tpu.memory_space<hbm>>) target_semaphore(%arg24 : memref<!tpu.dma_semaphore, #tpu.memory_space<semaphore_mem>>)
      %dma_wait3A_498 = arith.constant 0 : i32
      %dma_wait3A_499 = arith.constant 0 : i32
      %dma_wait3A_500 = tpu.memref_slice %arg3[%dma_wait3A_498, %dma_wait3A_499] : memref<1000000x32xf32, #tpu.memory_space<hbm>> -> memref<50x32xf32, #tpu.memory_space<hbm>>
      %dma_wait3A_501 = arith.constant 0 : i32
      %dma_wait3A_502 = arith.constant 0 : i32
      %dma_wait3A_503 = tpu.memref_slice %arg3[%dma_wait3A_501, %dma_wait3A_502] : memref<1000000x32xf32, #tpu.memory_space<hbm>> -> memref<50x32xf32, #tpu.memory_space<hbm>>
      tpu.wait_dma2 semaphore(%arg17 : memref<!tpu.dma_semaphore, #tpu.memory_space<semaphore_mem>>) src(%dma_wait3A_503 : memref<50x32xf32, #tpu.memory_space<hbm>>) dst(%arg9 : memref<50x32xf32, #tpu.memory_space<vmem>>)
      %sub3A_504 = arith.constant 1 : i32
      %sub3A_505 = arith.subi %scan3A_477, %sub3A_504 : i32
      %mul3A_506 = arith.constant 8 : i32
      %mul3A_507 = arith.muli %sub3A_505, %mul3A_506 : i32
      %add3A_508 = arith.constant 1 : i32
      %add3A_509 = arith.addi %mul3A_507, %add3A_508 : i32
      %add3A_510 = arith.addi %mul3A_2, %add3A_509 : i32
      %dma_start3A_511 = arith.constant 0 : i32
      %dma_start3A_512 = arith.constant 0 : i32
      %dma_start3A_513 = tpu.memref_slice %arg6[%add3A_510, %dma_start3A_511, %dma_start3A_512] : memref<16384x50x32xf32, #tpu.memory_space<hbm>> -> memref<1x50x32xf32, #tpu.memory_space<hbm>>
      %dma_start3A_514 = tpu.memref_squeeze %dma_start3A_513 : memref<1x50x32xf32, #tpu.memory_space<hbm>> -> memref<50x32xf32, #tpu.memory_space<hbm>>
      %dma_start3A_515 = arith.constant 0 : i32
      %dma_start3A_516 = arith.constant 0 : i32
      %dma_start3A_517 = tpu.memref_slice %arg6[%add3A_510, %dma_start3A_515, %dma_start3A_516] : memref<16384x50x32xf32, #tpu.memory_space<hbm>> -> memref<1x50x32xf32, #tpu.memory_space<hbm>>
      %dma_start3A_518 = tpu.memref_squeeze %dma_start3A_517 : memref<1x50x32xf32, #tpu.memory_space<hbm>> -> memref<50x32xf32, #tpu.memory_space<hbm>>
      tpu.enqueue_dma source(%arg9 : memref<50x32xf32, #tpu.memory_space<vmem>>) target(%dma_start3A_518 : memref<50x32xf32, #tpu.memory_space<hbm>>) target_semaphore(%arg25 : memref<!tpu.dma_semaphore, #tpu.memory_space<semaphore_mem>>)
      %dma_wait3A_519 = arith.constant 0 : i32
      %dma_wait3A_520 = arith.constant 0 : i32
      %dma_wait3A_521 = tpu.memref_slice %arg3[%dma_wait3A_519, %dma_wait3A_520] : memref<1000000x32xf32, #tpu.memory_space<hbm>> -> memref<50x32xf32, #tpu.memory_space<hbm>>
      %dma_wait3A_522 = arith.constant 0 : i32
      %dma_wait3A_523 = arith.constant 0 : i32
      %dma_wait3A_524 = tpu.memref_slice %arg3[%dma_wait3A_522, %dma_wait3A_523] : memref<1000000x32xf32, #tpu.memory_space<hbm>> -> memref<50x32xf32, #tpu.memory_space<hbm>>
      tpu.wait_dma2 semaphore(%arg18 : memref<!tpu.dma_semaphore, #tpu.memory_space<semaphore_mem>>) src(%dma_wait3A_524 : memref<50x32xf32, #tpu.memory_space<hbm>>) dst(%arg10 : memref<50x32xf32, #tpu.memory_space<vmem>>)
      %sub3A_525 = arith.constant 1 : i32
      %sub3A_526 = arith.subi %scan3A_477, %sub3A_525 : i32
      %mul3A_527 = arith.constant 8 : i32
      %mul3A_528 = arith.muli %sub3A_526, %mul3A_527 : i32
      %add3A_529 = arith.constant 2 : i32
      %add3A_530 = arith.addi %mul3A_528, %add3A_529 : i32
      %add3A_531 = arith.addi %mul3A_2, %add3A_530 : i32
      %dma_start3A_532 = arith.constant 0 : i32
      %dma_start3A_533 = arith.constant 0 : i32
      %dma_start3A_534 = tpu.memref_slice %arg6[%add3A_531, %dma_start3A_532, %dma_start3A_533] : memref<16384x50x32xf32, #tpu.memory_space<hbm>> -> memref<1x50x32xf32, #tpu.memory_space<hbm>>
      %dma_start3A_535 = tpu.memref_squeeze %dma_start3A_534 : memref<1x50x32xf32, #tpu.memory_space<hbm>> -> memref<50x32xf32, #tpu.memory_space<hbm>>
      %dma_start3A_536 = arith.constant 0 : i32
      %dma_start3A_537 = arith.constant 0 : i32
      %dma_start3A_538 = tpu.memref_slice %arg6[%add3A_531, %dma_start3A_536, %dma_start3A_537] : memref<16384x50x32xf32, #tpu.memory_space<hbm>> -> memref<1x50x32xf32, #tpu.memory_space<hbm>>
      %dma_start3A_539 = tpu.memref_squeeze %dma_start3A_538 : memref<1x50x32xf32, #tpu.memory_space<hbm>> -> memref<50x32xf32, #tpu.memory_space<hbm>>
      tpu.enqueue_dma source(%arg10 : memref<50x32xf32, #tpu.memory_space<vmem>>) target(%dma_start3A_539 : memref<50x32xf32, #tpu.memory_space<hbm>>) target_semaphore(%arg26 : memref<!tpu.dma_semaphore, #tpu.memory_space<semaphore_mem>>)
      %dma_wait3A_540 = arith.constant 0 : i32
      %dma_wait3A_541 = arith.constant 0 : i32
      %dma_wait3A_542 = tpu.memref_slice %arg3[%dma_wait3A_540, %dma_wait3A_541] : memref<1000000x32xf32, #tpu.memory_space<hbm>> -> memref<50x32xf32, #tpu.memory_space<hbm>>
      %dma_wait3A_543 = arith.constant 0 : i32
      %dma_wait3A_544 = arith.constant 0 : i32
      %dma_wait3A_545 = tpu.memref_slice %arg3[%dma_wait3A_543, %dma_wait3A_544] : memref<1000000x32xf32, #tpu.memory_space<hbm>> -> memref<50x32xf32, #tpu.memory_space<hbm>>
      tpu.wait_dma2 semaphore(%arg19 : memref<!tpu.dma_semaphore, #tpu.memory_space<semaphore_mem>>) src(%dma_wait3A_545 : memref<50x32xf32, #tpu.memory_space<hbm>>) dst(%arg11 : memref<50x32xf32, #tpu.memory_space<vmem>>)
      %sub3A_546 = arith.constant 1 : i32
      %sub3A_547 = arith.subi %scan3A_477, %sub3A_546 : i32
      %mul3A_548 = arith.constant 8 : i32
      %mul3A_549 = arith.muli %sub3A_547, %mul3A_548 : i32
      %add3A_550 = arith.constant 3 : i32
      %add3A_551 = arith.addi %mul3A_549, %add3A_550 : i32
      %add3A_552 = arith.addi %mul3A_2, %add3A_551 : i32
      %dma_start3A_553 = arith.constant 0 : i32
      %dma_start3A_554 = arith.constant 0 : i32
      %dma_start3A_555 = tpu.memref_slice %arg6[%add3A_552, %dma_start3A_553, %dma_start3A_554] : memref<16384x50x32xf32, #tpu.memory_space<hbm>> -> memref<1x50x32xf32, #tpu.memory_space<hbm>>
      %dma_start3A_556 = tpu.memref_squeeze %dma_start3A_555 : memref<1x50x32xf32, #tpu.memory_space<hbm>> -> memref<50x32xf32, #tpu.memory_space<hbm>>
      %dma_start3A_557 = arith.constant 0 : i32
      %dma_start3A_558 = arith.constant 0 : i32
      %dma_start3A_559 = tpu.memref_slice %arg6[%add3A_552, %dma_start3A_557, %dma_start3A_558] : memref<16384x50x32xf32, #tpu.memory_space<hbm>> -> memref<1x50x32xf32, #tpu.memory_space<hbm>>
      %dma_start3A_560 = tpu.memref_squeeze %dma_start3A_559 : memref<1x50x32xf32, #tpu.memory_space<hbm>> -> memref<50x32xf32, #tpu.memory_space<hbm>>
      tpu.enqueue_dma source(%arg11 : memref<50x32xf32, #tpu.memory_space<vmem>>) target(%dma_start3A_560 : memref<50x32xf32, #tpu.memory_space<hbm>>) target_semaphore(%arg27 : memref<!tpu.dma_semaphore, #tpu.memory_space<semaphore_mem>>)
      %dma_wait3A_561 = arith.constant 0 : i32
      %dma_wait3A_562 = arith.constant 0 : i32
      %dma_wait3A_563 = tpu.memref_slice %arg3[%dma_wait3A_561, %dma_wait3A_562] : memref<1000000x32xf32, #tpu.memory_space<hbm>> -> memref<50x32xf32, #tpu.memory_space<hbm>>
      %dma_wait3A_564 = arith.constant 0 : i32
      %dma_wait3A_565 = arith.constant 0 : i32
      %dma_wait3A_566 = tpu.memref_slice %arg3[%dma_wait3A_564, %dma_wait3A_565] : memref<1000000x32xf32, #tpu.memory_space<hbm>> -> memref<50x32xf32, #tpu.memory_space<hbm>>
      tpu.wait_dma2 semaphore(%arg20 : memref<!tpu.dma_semaphore, #tpu.memory_space<semaphore_mem>>) src(%dma_wait3A_566 : memref<50x32xf32, #tpu.memory_space<hbm>>) dst(%arg12 : memref<50x32xf32, #tpu.memory_space<vmem>>)
      %sub3A_567 = arith.constant 1 : i32
      %sub3A_568 = arith.subi %scan3A_477, %sub3A_567 : i32
      %mul3A_569 = arith.constant 8 : i32
      %mul3A_570 = arith.muli %sub3A_568, %mul3A_569 : i32
      %add3A_571 = arith.constant 4 : i32
      %add3A_572 = arith.addi %mul3A_570, %add3A_571 : i32
      %add3A_573 = arith.addi %mul3A_2, %add3A_572 : i32
      %dma_start3A_574 = arith.constant 0 : i32
      %dma_start3A_575 = arith.constant 0 : i32
      %dma_start3A_576 = tpu.memref_slice %arg6[%add3A_573, %dma_start3A_574, %dma_start3A_575] : memref<16384x50x32xf32, #tpu.memory_space<hbm>> -> memref<1x50x32xf32, #tpu.memory_space<hbm>>
      %dma_start3A_577 = tpu.memref_squeeze %dma_start3A_576 : memref<1x50x32xf32, #tpu.memory_space<hbm>> -> memref<50x32xf32, #tpu.memory_space<hbm>>
      %dma_start3A_578 = arith.constant 0 : i32
      %dma_start3A_579 = arith.constant 0 : i32
      %dma_start3A_580 = tpu.memref_slice %arg6[%add3A_573, %dma_start3A_578, %dma_start3A_579] : memref<16384x50x32xf32, #tpu.memory_space<hbm>> -> memref<1x50x32xf32, #tpu.memory_space<hbm>>
      %dma_start3A_581 = tpu.memref_squeeze %dma_start3A_580 : memref<1x50x32xf32, #tpu.memory_space<hbm>> -> memref<50x32xf32, #tpu.memory_space<hbm>>
      tpu.enqueue_dma source(%arg12 : memref<50x32xf32, #tpu.memory_space<vmem>>) target(%dma_start3A_581 : memref<50x32xf32, #tpu.memory_space<hbm>>) target_semaphore(%arg28 : memref<!tpu.dma_semaphore, #tpu.memory_space<semaphore_mem>>)
      %dma_wait3A_582 = arith.constant 0 : i32
      %dma_wait3A_583 = arith.constant 0 : i32
      %dma_wait3A_584 = tpu.memref_slice %arg3[%dma_wait3A_582, %dma_wait3A_583] : memref<1000000x32xf32, #tpu.memory_space<hbm>> -> memref<50x32xf32, #tpu.memory_space<hbm>>
      %dma_wait3A_585 = arith.constant 0 : i32
      %dma_wait3A_586 = arith.constant 0 : i32
      %dma_wait3A_587 = tpu.memref_slice %arg3[%dma_wait3A_585, %dma_wait3A_586] : memref<1000000x32xf32, #tpu.memory_space<hbm>> -> memref<50x32xf32, #tpu.memory_space<hbm>>
      tpu.wait_dma2 semaphore(%arg21 : memref<!tpu.dma_semaphore, #tpu.memory_space<semaphore_mem>>) src(%dma_wait3A_587 : memref<50x32xf32, #tpu.memory_space<hbm>>) dst(%arg13 : memref<50x32xf32, #tpu.memory_space<vmem>>)
      %sub3A_588 = arith.constant 1 : i32
      %sub3A_589 = arith.subi %scan3A_477, %sub3A_588 : i32
      %mul3A_590 = arith.constant 8 : i32
      %mul3A_591 = arith.muli %sub3A_589, %mul3A_590 : i32
      %add3A_592 = arith.constant 5 : i32
      %add3A_593 = arith.addi %mul3A_591, %add3A_592 : i32
      %add3A_594 = arith.addi %mul3A_2, %add3A_593 : i32
      %dma_start3A_595 = arith.constant 0 : i32
      %dma_start3A_596 = arith.constant 0 : i32
      %dma_start3A_597 = tpu.memref_slice %arg6[%add3A_594, %dma_start3A_595, %dma_start3A_596] : memref<16384x50x32xf32, #tpu.memory_space<hbm>> -> memref<1x50x32xf32, #tpu.memory_space<hbm>>
      %dma_start3A_598 = tpu.memref_squeeze %dma_start3A_597 : memref<1x50x32xf32, #tpu.memory_space<hbm>> -> memref<50x32xf32, #tpu.memory_space<hbm>>
      %dma_start3A_599 = arith.constant 0 : i32
      %dma_start3A_600 = arith.constant 0 : i32
      %dma_start3A_601 = tpu.memref_slice %arg6[%add3A_594, %dma_start3A_599, %dma_start3A_600] : memref<16384x50x32xf32, #tpu.memory_space<hbm>> -> memref<1x50x32xf32, #tpu.memory_space<hbm>>
      %dma_start3A_602 = tpu.memref_squeeze %dma_start3A_601 : memref<1x50x32xf32, #tpu.memory_space<hbm>> -> memref<50x32xf32, #tpu.memory_space<hbm>>
      tpu.enqueue_dma source(%arg13 : memref<50x32xf32, #tpu.memory_space<vmem>>) target(%dma_start3A_602 : memref<50x32xf32, #tpu.memory_space<hbm>>) target_semaphore(%arg29 : memref<!tpu.dma_semaphore, #tpu.memory_space<semaphore_mem>>)
      %dma_wait3A_603 = arith.constant 0 : i32
      %dma_wait3A_604 = arith.constant 0 : i32
      %dma_wait3A_605 = tpu.memref_slice %arg3[%dma_wait3A_603, %dma_wait3A_604] : memref<1000000x32xf32, #tpu.memory_space<hbm>> -> memref<50x32xf32, #tpu.memory_space<hbm>>
      %dma_wait3A_606 = arith.constant 0 : i32
      %dma_wait3A_607 = arith.constant 0 : i32
      %dma_wait3A_608 = tpu.memref_slice %arg3[%dma_wait3A_606, %dma_wait3A_607] : memref<1000000x32xf32, #tpu.memory_space<hbm>> -> memref<50x32xf32, #tpu.memory_space<hbm>>
      tpu.wait_dma2 semaphore(%arg22 : memref<!tpu.dma_semaphore, #tpu.memory_space<semaphore_mem>>) src(%dma_wait3A_608 : memref<50x32xf32, #tpu.memory_space<hbm>>) dst(%arg14 : memref<50x32xf32, #tpu.memory_space<vmem>>)
      %sub3A_609 = arith.constant 1 : i32
      %sub3A_610 = arith.subi %scan3A_477, %sub3A_609 : i32
      %mul3A_611 = arith.constant 8 : i32
      %mul3A_612 = arith.muli %sub3A_610, %mul3A_611 : i32
      %add3A_613 = arith.constant 6 : i32
      %add3A_614 = arith.addi %mul3A_612, %add3A_613 : i32
      %add3A_615 = arith.addi %mul3A_2, %add3A_614 : i32
      %dma_start3A_616 = arith.constant 0 : i32
      %dma_start3A_617 = arith.constant 0 : i32
      %dma_start3A_618 = tpu.memref_slice %arg6[%add3A_615, %dma_start3A_616, %dma_start3A_617] : memref<16384x50x32xf32, #tpu.memory_space<hbm>> -> memref<1x50x32xf32, #tpu.memory_space<hbm>>
      %dma_start3A_619 = tpu.memref_squeeze %dma_start3A_618 : memref<1x50x32xf32, #tpu.memory_space<hbm>> -> memref<50x32xf32, #tpu.memory_space<hbm>>
      %dma_start3A_620 = arith.constant 0 : i32
      %dma_start3A_621 = arith.constant 0 : i32
      %dma_start3A_622 = tpu.memref_slice %arg6[%add3A_615, %dma_start3A_620, %dma_start3A_621] : memref<16384x50x32xf32, #tpu.memory_space<hbm>> -> memref<1x50x32xf32, #tpu.memory_space<hbm>>
      %dma_start3A_623 = tpu.memref_squeeze %dma_start3A_622 : memref<1x50x32xf32, #tpu.memory_space<hbm>> -> memref<50x32xf32, #tpu.memory_space<hbm>>
      tpu.enqueue_dma source(%arg14 : memref<50x32xf32, #tpu.memory_space<vmem>>) target(%dma_start3A_623 : memref<50x32xf32, #tpu.memory_space<hbm>>) target_semaphore(%arg30 : memref<!tpu.dma_semaphore, #tpu.memory_space<semaphore_mem>>)
      %dma_wait3A_624 = arith.constant 0 : i32
      %dma_wait3A_625 = arith.constant 0 : i32
      %dma_wait3A_626 = tpu.memref_slice %arg3[%dma_wait3A_624, %dma_wait3A_625] : memref<1000000x32xf32, #tpu.memory_space<hbm>> -> memref<50x32xf32, #tpu.memory_space<hbm>>
      %dma_wait3A_627 = arith.constant 0 : i32
      %dma_wait3A_628 = arith.constant 0 : i32
      %dma_wait3A_629 = tpu.memref_slice %arg3[%dma_wait3A_627, %dma_wait3A_628] : memref<1000000x32xf32, #tpu.memory_space<hbm>> -> memref<50x32xf32, #tpu.memory_space<hbm>>
      tpu.wait_dma2 semaphore(%arg23 : memref<!tpu.dma_semaphore, #tpu.memory_space<semaphore_mem>>) src(%dma_wait3A_629 : memref<50x32xf32, #tpu.memory_space<hbm>>) dst(%arg15 : memref<50x32xf32, #tpu.memory_space<vmem>>)
      %sub3A_630 = arith.constant 1 : i32
      %sub3A_631 = arith.subi %scan3A_477, %sub3A_630 : i32
      %mul3A_632 = arith.constant 8 : i32
      %mul3A_633 = arith.muli %sub3A_631, %mul3A_632 : i32
      %add3A_634 = arith.constant 7 : i32
      %add3A_635 = arith.addi %mul3A_633, %add3A_634 : i32
      %add3A_636 = arith.addi %mul3A_2, %add3A_635 : i32
      %dma_start3A_637 = arith.constant 0 : i32
      %dma_start3A_638 = arith.constant 0 : i32
      %dma_start3A_639 = tpu.memref_slice %arg6[%add3A_636, %dma_start3A_637, %dma_start3A_638] : memref<16384x50x32xf32, #tpu.memory_space<hbm>> -> memref<1x50x32xf32, #tpu.memory_space<hbm>>
      %dma_start3A_640 = tpu.memref_squeeze %dma_start3A_639 : memref<1x50x32xf32, #tpu.memory_space<hbm>> -> memref<50x32xf32, #tpu.memory_space<hbm>>
      %dma_start3A_641 = arith.constant 0 : i32
      %dma_start3A_642 = arith.constant 0 : i32
      %dma_start3A_643 = tpu.memref_slice %arg6[%add3A_636, %dma_start3A_641, %dma_start3A_642] : memref<16384x50x32xf32, #tpu.memory_space<hbm>> -> memref<1x50x32xf32, #tpu.memory_space<hbm>>
      %dma_start3A_644 = tpu.memref_squeeze %dma_start3A_643 : memref<1x50x32xf32, #tpu.memory_space<hbm>> -> memref<50x32xf32, #tpu.memory_space<hbm>>
      tpu.enqueue_dma source(%arg15 : memref<50x32xf32, #tpu.memory_space<vmem>>) target(%dma_start3A_644 : memref<50x32xf32, #tpu.memory_space<hbm>>) target_semaphore(%arg31 : memref<!tpu.dma_semaphore, #tpu.memory_space<semaphore_mem>>)
      %dma_wait3A_645 = arith.constant 0 : i32
      %dma_wait3A_646 = arith.constant 0 : i32
      %dma_wait3A_647 = tpu.memref_slice %arg6[%add3A_489, %dma_wait3A_645, %dma_wait3A_646] : memref<16384x50x32xf32, #tpu.memory_space<hbm>> -> memref<1x50x32xf32, #tpu.memory_space<hbm>>
      %dma_wait3A_648 = tpu.memref_squeeze %dma_wait3A_647 : memref<1x50x32xf32, #tpu.memory_space<hbm>> -> memref<50x32xf32, #tpu.memory_space<hbm>>
      %dma_wait3A_649 = arith.constant 0 : i32
      %dma_wait3A_650 = arith.constant 0 : i32
      %dma_wait3A_651 = tpu.memref_slice %arg6[%add3A_489, %dma_wait3A_649, %dma_wait3A_650] : memref<16384x50x32xf32, #tpu.memory_space<hbm>> -> memref<1x50x32xf32, #tpu.memory_space<hbm>>
      %dma_wait3A_652 = tpu.memref_squeeze %dma_wait3A_651 : memref<1x50x32xf32, #tpu.memory_space<hbm>> -> memref<50x32xf32, #tpu.memory_space<hbm>>
      tpu.wait_dma2 semaphore(%arg24 : memref<!tpu.dma_semaphore, #tpu.memory_space<semaphore_mem>>) src(%arg8 : memref<50x32xf32, #tpu.memory_space<vmem>>) dst(%dma_wait3A_652 : memref<50x32xf32, #tpu.memory_space<hbm>>)
      %mul3A_653 = arith.constant 8 : i32
      %mul3A_654 = arith.muli %scan3A_477, %mul3A_653 : i32
      %add3A_655 = arith.constant 0 : i32
      %add3A_656 = arith.addi %mul3A_654, %add3A_655 : i32
      %dma_start3A_657 = arith.constant 0 : i32
      %dma_start3A_658 = tpu.memref_slice %arg7[%add3A_656, %dma_start3A_657] : memref<512x50xi32, #tpu.memory_space<vmem>> -> memref<1x50xi32, #tpu.memory_space<vmem>>
      %dma_start3A_659 = tpu.memref_squeeze %dma_start3A_658 : memref<1x50xi32, #tpu.memory_space<vmem>> -> memref<50xi32, #tpu.memory_space<vmem>>
      %dma_start3A_660 = arith.constant 0 : i32
      %dma_start3A_661 = arith.constant 0 : i32
      %dma_start3A_662 = tpu.memref_slice %arg3[%dma_start3A_660, %dma_start3A_661] : memref<1000000x32xf32, #tpu.memory_space<hbm>> -> memref<1000000x32xf32, #tpu.memory_space<hbm>>
      tpu.enqueue_indirect_dma source(%dma_start3A_662 : memref<1000000x32xf32, #tpu.memory_space<hbm>>) target(%arg8 : memref<50x32xf32, #tpu.memory_space<vmem>>) offsets(%dma_start3A_659 : memref<50xi32, #tpu.memory_space<vmem>>) semaphore(%arg16 : memref<!tpu.dma_semaphore, #tpu.memory_space<semaphore_mem>>)
      %dma_wait3A_663 = arith.constant 0 : i32
      %dma_wait3A_664 = arith.constant 0 : i32
      %dma_wait3A_665 = tpu.memref_slice %arg6[%add3A_510, %dma_wait3A_663, %dma_wait3A_664] : memref<16384x50x32xf32, #tpu.memory_space<hbm>> -> memref<1x50x32xf32, #tpu.memory_space<hbm>>
      %dma_wait3A_666 = tpu.memref_squeeze %dma_wait3A_665 : memref<1x50x32xf32, #tpu.memory_space<hbm>> -> memref<50x32xf32, #tpu.memory_space<hbm>>
      %dma_wait3A_667 = arith.constant 0 : i32
      %dma_wait3A_668 = arith.constant 0 : i32
      %dma_wait3A_669 = tpu.memref_slice %arg6[%add3A_510, %dma_wait3A_667, %dma_wait3A_668] : memref<16384x50x32xf32, #tpu.memory_space<hbm>> -> memref<1x50x32xf32, #tpu.memory_space<hbm>>
      %dma_wait3A_670 = tpu.memref_squeeze %dma_wait3A_669 : memref<1x50x32xf32, #tpu.memory_space<hbm>> -> memref<50x32xf32, #tpu.memory_space<hbm>>
      tpu.wait_dma2 semaphore(%arg25 : memref<!tpu.dma_semaphore, #tpu.memory_space<semaphore_mem>>) src(%arg9 : memref<50x32xf32, #tpu.memory_space<vmem>>) dst(%dma_wait3A_670 : memref<50x32xf32, #tpu.memory_space<hbm>>)
      %mul3A_671 = arith.constant 8 : i32
      %mul3A_672 = arith.muli %scan3A_477, %mul3A_671 : i32
      %add3A_673 = arith.constant 1 : i32
      %add3A_674 = arith.addi %mul3A_672, %add3A_673 : i32
      %dma_start3A_675 = arith.constant 0 : i32
      %dma_start3A_676 = tpu.memref_slice %arg7[%add3A_674, %dma_start3A_675] : memref<512x50xi32, #tpu.memory_space<vmem>> -> memref<1x50xi32, #tpu.memory_space<vmem>>
      %dma_start3A_677 = tpu.memref_squeeze %dma_start3A_676 : memref<1x50xi32, #tpu.memory_space<vmem>> -> memref<50xi32, #tpu.memory_space<vmem>>
      %dma_start3A_678 = arith.constant 0 : i32
      %dma_start3A_679 = arith.constant 0 : i32
      %dma_start3A_680 = tpu.memref_slice %arg3[%dma_start3A_678, %dma_start3A_679] : memref<1000000x32xf32, #tpu.memory_space<hbm>> -> memref<1000000x32xf32, #tpu.memory_space<hbm>>
      tpu.enqueue_indirect_dma source(%dma_start3A_680 : memref<1000000x32xf32, #tpu.memory_space<hbm>>) target(%arg9 : memref<50x32xf32, #tpu.memory_space<vmem>>) offsets(%dma_start3A_677 : memref<50xi32, #tpu.memory_space<vmem>>) semaphore(%arg17 : memref<!tpu.dma_semaphore, #tpu.memory_space<semaphore_mem>>)
      %dma_wait3A_681 = arith.constant 0 : i32
      %dma_wait3A_682 = arith.constant 0 : i32
      %dma_wait3A_683 = tpu.memref_slice %arg6[%add3A_531, %dma_wait3A_681, %dma_wait3A_682] : memref<16384x50x32xf32, #tpu.memory_space<hbm>> -> memref<1x50x32xf32, #tpu.memory_space<hbm>>
      %dma_wait3A_684 = tpu.memref_squeeze %dma_wait3A_683 : memref<1x50x32xf32, #tpu.memory_space<hbm>> -> memref<50x32xf32, #tpu.memory_space<hbm>>
      %dma_wait3A_685 = arith.constant 0 : i32
      %dma_wait3A_686 = arith.constant 0 : i32
      %dma_wait3A_687 = tpu.memref_slice %arg6[%add3A_531, %dma_wait3A_685, %dma_wait3A_686] : memref<16384x50x32xf32, #tpu.memory_space<hbm>> -> memref<1x50x32xf32, #tpu.memory_space<hbm>>
      %dma_wait3A_688 = tpu.memref_squeeze %dma_wait3A_687 : memref<1x50x32xf32, #tpu.memory_space<hbm>> -> memref<50x32xf32, #tpu.memory_space<hbm>>
      tpu.wait_dma2 semaphore(%arg26 : memref<!tpu.dma_semaphore, #tpu.memory_space<semaphore_mem>>) src(%arg10 : memref<50x32xf32, #tpu.memory_space<vmem>>) dst(%dma_wait3A_688 : memref<50x32xf32, #tpu.memory_space<hbm>>)
      %mul3A_689 = arith.constant 8 : i32
      %mul3A_690 = arith.muli %scan3A_477, %mul3A_689 : i32
      %add3A_691 = arith.constant 2 : i32
      %add3A_692 = arith.addi %mul3A_690, %add3A_691 : i32
      %dma_start3A_693 = arith.constant 0 : i32
      %dma_start3A_694 = tpu.memref_slice %arg7[%add3A_692, %dma_start3A_693] : memref<512x50xi32, #tpu.memory_space<vmem>> -> memref<1x50xi32, #tpu.memory_space<vmem>>
      %dma_start3A_695 = tpu.memref_squeeze %dma_start3A_694 : memref<1x50xi32, #tpu.memory_space<vmem>> -> memref<50xi32, #tpu.memory_space<vmem>>
      %dma_start3A_696 = arith.constant 0 : i32
      %dma_start3A_697 = arith.constant 0 : i32
      %dma_start3A_698 = tpu.memref_slice %arg3[%dma_start3A_696, %dma_start3A_697] : memref<1000000x32xf32, #tpu.memory_space<hbm>> -> memref<1000000x32xf32, #tpu.memory_space<hbm>>
      tpu.enqueue_indirect_dma source(%dma_start3A_698 : memref<1000000x32xf32, #tpu.memory_space<hbm>>) target(%arg10 : memref<50x32xf32, #tpu.memory_space<vmem>>) offsets(%dma_start3A_695 : memref<50xi32, #tpu.memory_space<vmem>>) semaphore(%arg18 : memref<!tpu.dma_semaphore, #tpu.memory_space<semaphore_mem>>)
      %dma_wait3A_699 = arith.constant 0 : i32
      %dma_wait3A_700 = arith.constant 0 : i32
      %dma_wait3A_701 = tpu.memref_slice %arg6[%add3A_552, %dma_wait3A_699, %dma_wait3A_700] : memref<16384x50x32xf32, #tpu.memory_space<hbm>> -> memref<1x50x32xf32, #tpu.memory_space<hbm>>
      %dma_wait3A_702 = tpu.memref_squeeze %dma_wait3A_701 : memref<1x50x32xf32, #tpu.memory_space<hbm>> -> memref<50x32xf32, #tpu.memory_space<hbm>>
      %dma_wait3A_703 = arith.constant 0 : i32
      %dma_wait3A_704 = arith.constant 0 : i32
      %dma_wait3A_705 = tpu.memref_slice %arg6[%add3A_552, %dma_wait3A_703, %dma_wait3A_704] : memref<16384x50x32xf32, #tpu.memory_space<hbm>> -> memref<1x50x32xf32, #tpu.memory_space<hbm>>
      %dma_wait3A_706 = tpu.memref_squeeze %dma_wait3A_705 : memref<1x50x32xf32, #tpu.memory_space<hbm>> -> memref<50x32xf32, #tpu.memory_space<hbm>>
      tpu.wait_dma2 semaphore(%arg27 : memref<!tpu.dma_semaphore, #tpu.memory_space<semaphore_mem>>) src(%arg11 : memref<50x32xf32, #tpu.memory_space<vmem>>) dst(%dma_wait3A_706 : memref<50x32xf32, #tpu.memory_space<hbm>>)
      %mul3A_707 = arith.constant 8 : i32
      %mul3A_708 = arith.muli %scan3A_477, %mul3A_707 : i32
      %add3A_709 = arith.constant 3 : i32
      %add3A_710 = arith.addi %mul3A_708, %add3A_709 : i32
      %dma_start3A_711 = arith.constant 0 : i32
      %dma_start3A_712 = tpu.memref_slice %arg7[%add3A_710, %dma_start3A_711] : memref<512x50xi32, #tpu.memory_space<vmem>> -> memref<1x50xi32, #tpu.memory_space<vmem>>
      %dma_start3A_713 = tpu.memref_squeeze %dma_start3A_712 : memref<1x50xi32, #tpu.memory_space<vmem>> -> memref<50xi32, #tpu.memory_space<vmem>>
      %dma_start3A_714 = arith.constant 0 : i32
      %dma_start3A_715 = arith.constant 0 : i32
      %dma_start3A_716 = tpu.memref_slice %arg3[%dma_start3A_714, %dma_start3A_715] : memref<1000000x32xf32, #tpu.memory_space<hbm>> -> memref<1000000x32xf32, #tpu.memory_space<hbm>>
      tpu.enqueue_indirect_dma source(%dma_start3A_716 : memref<1000000x32xf32, #tpu.memory_space<hbm>>) target(%arg11 : memref<50x32xf32, #tpu.memory_space<vmem>>) offsets(%dma_start3A_713 : memref<50xi32, #tpu.memory_space<vmem>>) semaphore(%arg19 : memref<!tpu.dma_semaphore, #tpu.memory_space<semaphore_mem>>)
      %dma_wait3A_717 = arith.constant 0 : i32
      %dma_wait3A_718 = arith.constant 0 : i32
      %dma_wait3A_719 = tpu.memref_slice %arg6[%add3A_573, %dma_wait3A_717, %dma_wait3A_718] : memref<16384x50x32xf32, #tpu.memory_space<hbm>> -> memref<1x50x32xf32, #tpu.memory_space<hbm>>
      %dma_wait3A_720 = tpu.memref_squeeze %dma_wait3A_719 : memref<1x50x32xf32, #tpu.memory_space<hbm>> -> memref<50x32xf32, #tpu.memory_space<hbm>>
      %dma_wait3A_721 = arith.constant 0 : i32
      %dma_wait3A_722 = arith.constant 0 : i32
      %dma_wait3A_723 = tpu.memref_slice %arg6[%add3A_573, %dma_wait3A_721, %dma_wait3A_722] : memref<16384x50x32xf32, #tpu.memory_space<hbm>> -> memref<1x50x32xf32, #tpu.memory_space<hbm>>
      %dma_wait3A_724 = tpu.memref_squeeze %dma_wait3A_723 : memref<1x50x32xf32, #tpu.memory_space<hbm>> -> memref<50x32xf32, #tpu.memory_space<hbm>>
      tpu.wait_dma2 semaphore(%arg28 : memref<!tpu.dma_semaphore, #tpu.memory_space<semaphore_mem>>) src(%arg12 : memref<50x32xf32, #tpu.memory_space<vmem>>) dst(%dma_wait3A_724 : memref<50x32xf32, #tpu.memory_space<hbm>>)
      %mul3A_725 = arith.constant 8 : i32
      %mul3A_726 = arith.muli %scan3A_477, %mul3A_725 : i32
      %add3A_727 = arith.constant 4 : i32
      %add3A_728 = arith.addi %mul3A_726, %add3A_727 : i32
      %dma_start3A_729 = arith.constant 0 : i32
      %dma_start3A_730 = tpu.memref_slice %arg7[%add3A_728, %dma_start3A_729] : memref<512x50xi32, #tpu.memory_space<vmem>> -> memref<1x50xi32, #tpu.memory_space<vmem>>
      %dma_start3A_731 = tpu.memref_squeeze %dma_start3A_730 : memref<1x50xi32, #tpu.memory_space<vmem>> -> memref<50xi32, #tpu.memory_space<vmem>>
      %dma_start3A_732 = arith.constant 0 : i32
      %dma_start3A_733 = arith.constant 0 : i32
      %dma_start3A_734 = tpu.memref_slice %arg3[%dma_start3A_732, %dma_start3A_733] : memref<1000000x32xf32, #tpu.memory_space<hbm>> -> memref<1000000x32xf32, #tpu.memory_space<hbm>>
      tpu.enqueue_indirect_dma source(%dma_start3A_734 : memref<1000000x32xf32, #tpu.memory_space<hbm>>) target(%arg12 : memref<50x32xf32, #tpu.memory_space<vmem>>) offsets(%dma_start3A_731 : memref<50xi32, #tpu.memory_space<vmem>>) semaphore(%arg20 : memref<!tpu.dma_semaphore, #tpu.memory_space<semaphore_mem>>)
      %dma_wait3A_735 = arith.constant 0 : i32
      %dma_wait3A_736 = arith.constant 0 : i32
      %dma_wait3A_737 = tpu.memref_slice %arg6[%add3A_594, %dma_wait3A_735, %dma_wait3A_736] : memref<16384x50x32xf32, #tpu.memory_space<hbm>> -> memref<1x50x32xf32, #tpu.memory_space<hbm>>
      %dma_wait3A_738 = tpu.memref_squeeze %dma_wait3A_737 : memref<1x50x32xf32, #tpu.memory_space<hbm>> -> memref<50x32xf32, #tpu.memory_space<hbm>>
      %dma_wait3A_739 = arith.constant 0 : i32
      %dma_wait3A_740 = arith.constant 0 : i32
      %dma_wait3A_741 = tpu.memref_slice %arg6[%add3A_594, %dma_wait3A_739, %dma_wait3A_740] : memref<16384x50x32xf32, #tpu.memory_space<hbm>> -> memref<1x50x32xf32, #tpu.memory_space<hbm>>
      %dma_wait3A_742 = tpu.memref_squeeze %dma_wait3A_741 : memref<1x50x32xf32, #tpu.memory_space<hbm>> -> memref<50x32xf32, #tpu.memory_space<hbm>>
      tpu.wait_dma2 semaphore(%arg29 : memref<!tpu.dma_semaphore, #tpu.memory_space<semaphore_mem>>) src(%arg13 : memref<50x32xf32, #tpu.memory_space<vmem>>) dst(%dma_wait3A_742 : memref<50x32xf32, #tpu.memory_space<hbm>>)
      %mul3A_743 = arith.constant 8 : i32
      %mul3A_744 = arith.muli %scan3A_477, %mul3A_743 : i32
      %add3A_745 = arith.constant 5 : i32
      %add3A_746 = arith.addi %mul3A_744, %add3A_745 : i32
      %dma_start3A_747 = arith.constant 0 : i32
      %dma_start3A_748 = tpu.memref_slice %arg7[%add3A_746, %dma_start3A_747] : memref<512x50xi32, #tpu.memory_space<vmem>> -> memref<1x50xi32, #tpu.memory_space<vmem>>
      %dma_start3A_749 = tpu.memref_squeeze %dma_start3A_748 : memref<1x50xi32, #tpu.memory_space<vmem>> -> memref<50xi32, #tpu.memory_space<vmem>>
      %dma_start3A_750 = arith.constant 0 : i32
      %dma_start3A_751 = arith.constant 0 : i32
      %dma_start3A_752 = tpu.memref_slice %arg3[%dma_start3A_750, %dma_start3A_751] : memref<1000000x32xf32, #tpu.memory_space<hbm>> -> memref<1000000x32xf32, #tpu.memory_space<hbm>>
      tpu.enqueue_indirect_dma source(%dma_start3A_752 : memref<1000000x32xf32, #tpu.memory_space<hbm>>) target(%arg13 : memref<50x32xf32, #tpu.memory_space<vmem>>) offsets(%dma_start3A_749 : memref<50xi32, #tpu.memory_space<vmem>>) semaphore(%arg21 : memref<!tpu.dma_semaphore, #tpu.memory_space<semaphore_mem>>)
      %dma_wait3A_753 = arith.constant 0 : i32
      %dma_wait3A_754 = arith.constant 0 : i32
      %dma_wait3A_755 = tpu.memref_slice %arg6[%add3A_615, %dma_wait3A_753, %dma_wait3A_754] : memref<16384x50x32xf32, #tpu.memory_space<hbm>> -> memref<1x50x32xf32, #tpu.memory_space<hbm>>
      %dma_wait3A_756 = tpu.memref_squeeze %dma_wait3A_755 : memref<1x50x32xf32, #tpu.memory_space<hbm>> -> memref<50x32xf32, #tpu.memory_space<hbm>>
      %dma_wait3A_757 = arith.constant 0 : i32
      %dma_wait3A_758 = arith.constant 0 : i32
      %dma_wait3A_759 = tpu.memref_slice %arg6[%add3A_615, %dma_wait3A_757, %dma_wait3A_758] : memref<16384x50x32xf32, #tpu.memory_space<hbm>> -> memref<1x50x32xf32, #tpu.memory_space<hbm>>
      %dma_wait3A_760 = tpu.memref_squeeze %dma_wait3A_759 : memref<1x50x32xf32, #tpu.memory_space<hbm>> -> memref<50x32xf32, #tpu.memory_space<hbm>>
      tpu.wait_dma2 semaphore(%arg30 : memref<!tpu.dma_semaphore, #tpu.memory_space<semaphore_mem>>) src(%arg14 : memref<50x32xf32, #tpu.memory_space<vmem>>) dst(%dma_wait3A_760 : memref<50x32xf32, #tpu.memory_space<hbm>>)
      %mul3A_761 = arith.constant 8 : i32
      %mul3A_762 = arith.muli %scan3A_477, %mul3A_761 : i32
      %add3A_763 = arith.constant 6 : i32
      %add3A_764 = arith.addi %mul3A_762, %add3A_763 : i32
      %dma_start3A_765 = arith.constant 0 : i32
      %dma_start3A_766 = tpu.memref_slice %arg7[%add3A_764, %dma_start3A_765] : memref<512x50xi32, #tpu.memory_space<vmem>> -> memref<1x50xi32, #tpu.memory_space<vmem>>
      %dma_start3A_767 = tpu.memref_squeeze %dma_start3A_766 : memref<1x50xi32, #tpu.memory_space<vmem>> -> memref<50xi32, #tpu.memory_space<vmem>>
      %dma_start3A_768 = arith.constant 0 : i32
      %dma_start3A_769 = arith.constant 0 : i32
      %dma_start3A_770 = tpu.memref_slice %arg3[%dma_start3A_768, %dma_start3A_769] : memref<1000000x32xf32, #tpu.memory_space<hbm>> -> memref<1000000x32xf32, #tpu.memory_space<hbm>>
      tpu.enqueue_indirect_dma source(%dma_start3A_770 : memref<1000000x32xf32, #tpu.memory_space<hbm>>) target(%arg14 : memref<50x32xf32, #tpu.memory_space<vmem>>) offsets(%dma_start3A_767 : memref<50xi32, #tpu.memory_space<vmem>>) semaphore(%arg22 : memref<!tpu.dma_semaphore, #tpu.memory_space<semaphore_mem>>)
      %dma_wait3A_771 = arith.constant 0 : i32
      %dma_wait3A_772 = arith.constant 0 : i32
      %dma_wait3A_773 = tpu.memref_slice %arg6[%add3A_636, %dma_wait3A_771, %dma_wait3A_772] : memref<16384x50x32xf32, #tpu.memory_space<hbm>> -> memref<1x50x32xf32, #tpu.memory_space<hbm>>
      %dma_wait3A_774 = tpu.memref_squeeze %dma_wait3A_773 : memref<1x50x32xf32, #tpu.memory_space<hbm>> -> memref<50x32xf32, #tpu.memory_space<hbm>>
      %dma_wait3A_775 = arith.constant 0 : i32
      %dma_wait3A_776 = arith.constant 0 : i32
      %dma_wait3A_777 = tpu.memref_slice %arg6[%add3A_636, %dma_wait3A_775, %dma_wait3A_776] : memref<16384x50x32xf32, #tpu.memory_space<hbm>> -> memref<1x50x32xf32, #tpu.memory_space<hbm>>
      %dma_wait3A_778 = tpu.memref_squeeze %dma_wait3A_777 : memref<1x50x32xf32, #tpu.memory_space<hbm>> -> memref<50x32xf32, #tpu.memory_space<hbm>>
      tpu.wait_dma2 semaphore(%arg31 : memref<!tpu.dma_semaphore, #tpu.memory_space<semaphore_mem>>) src(%arg15 : memref<50x32xf32, #tpu.memory_space<vmem>>) dst(%dma_wait3A_778 : memref<50x32xf32, #tpu.memory_space<hbm>>)
      %mul3A_779 = arith.constant 8 : i32
      %mul3A_780 = arith.muli %scan3A_477, %mul3A_779 : i32
      %add3A_781 = arith.constant 7 : i32
      %add3A_782 = arith.addi %mul3A_780, %add3A_781 : i32
      %dma_start3A_783 = arith.constant 0 : i32
      %dma_start3A_784 = tpu.memref_slice %arg7[%add3A_782, %dma_start3A_783] : memref<512x50xi32, #tpu.memory_space<vmem>> -> memref<1x50xi32, #tpu.memory_space<vmem>>
      %dma_start3A_785 = tpu.memref_squeeze %dma_start3A_784 : memref<1x50xi32, #tpu.memory_space<vmem>> -> memref<50xi32, #tpu.memory_space<vmem>>
      %dma_start3A_786 = arith.constant 0 : i32
      %dma_start3A_787 = arith.constant 0 : i32
      %dma_start3A_788 = tpu.memref_slice %arg3[%dma_start3A_786, %dma_start3A_787] : memref<1000000x32xf32, #tpu.memory_space<hbm>> -> memref<1000000x32xf32, #tpu.memory_space<hbm>>
      tpu.enqueue_indirect_dma source(%dma_start3A_788 : memref<1000000x32xf32, #tpu.memory_space<hbm>>) target(%arg15 : memref<50x32xf32, #tpu.memory_space<vmem>>) offsets(%dma_start3A_785 : memref<50xi32, #tpu.memory_space<vmem>>) semaphore(%arg23 : memref<!tpu.dma_semaphore, #tpu.memory_space<semaphore_mem>>)
      %dma_wait3A_789 = arith.constant 0 : i32
      %dma_wait3A_790 = tpu.memref_slice %arg7[%add3A_656, %dma_wait3A_789] : memref<512x50xi32, #tpu.memory_space<vmem>> -> memref<1x50xi32, #tpu.memory_space<vmem>>
      %dma_wait3A_791 = tpu.memref_squeeze %dma_wait3A_790 : memref<1x50xi32, #tpu.memory_space<vmem>> -> memref<50xi32, #tpu.memory_space<vmem>>
      %dma_wait3A_792 = arith.constant 0 : i32
      %dma_wait3A_793 = arith.constant 0 : i32
      %dma_wait3A_794 = tpu.memref_slice %arg3[%dma_wait3A_792, %dma_wait3A_793] : memref<1000000x32xf32, #tpu.memory_space<hbm>> -> memref<1000000x32xf32, #tpu.memory_space<hbm>>
      tpu.wait_indirect_dma semaphore(%arg16 : memref<!tpu.dma_semaphore, #tpu.memory_space<semaphore_mem>>) src(%dma_wait3A_794 : memref<1000000x32xf32, #tpu.memory_space<hbm>>) dst(%arg8 : memref<50x32xf32, #tpu.memory_space<vmem>>)
      %mul3A_795 = arith.constant 8 : i32
      %mul3A_796 = arith.muli %scan3A_477, %mul3A_795 : i32
      %add3A_797 = arith.constant 0 : i32
      %add3A_798 = arith.addi %mul3A_796, %add3A_797 : i32
      %dma_start3A_799 = arith.constant 0 : i32
      %dma_start3A_800 = tpu.memref_slice %arg7[%add3A_798, %dma_start3A_799] : memref<512x50xi32, #tpu.memory_space<vmem>> -> memref<1x50xi32, #tpu.memory_space<vmem>>
      %dma_start3A_801 = tpu.memref_squeeze %dma_start3A_800 : memref<1x50xi32, #tpu.memory_space<vmem>> -> memref<50xi32, #tpu.memory_space<vmem>>
      %dma_start3A_802 = arith.constant 0 : i32
      %dma_start3A_803 = arith.constant 0 : i32
      %dma_start3A_804 = tpu.memref_slice %arg4[%dma_start3A_802, %dma_start3A_803] : memref<1000000x32xf32, #tpu.memory_space<hbm>> -> memref<1000000x32xf32, #tpu.memory_space<hbm>>
      tpu.enqueue_indirect_dma source(%dma_start3A_804 : memref<1000000x32xf32, #tpu.memory_space<hbm>>) target(%arg8 : memref<50x32xf32, #tpu.memory_space<vmem>>) offsets(%dma_start3A_801 : memref<50xi32, #tpu.memory_space<vmem>>) semaphore(%arg16 : memref<!tpu.dma_semaphore, #tpu.memory_space<semaphore_mem>>) {add = true}
      %dma_wait3A_805 = arith.constant 0 : i32
      %dma_wait3A_806 = tpu.memref_slice %arg7[%add3A_674, %dma_wait3A_805] : memref<512x50xi32, #tpu.memory_space<vmem>> -> memref<1x50xi32, #tpu.memory_space<vmem>>
      %dma_wait3A_807 = tpu.memref_squeeze %dma_wait3A_806 : memref<1x50xi32, #tpu.memory_space<vmem>> -> memref<50xi32, #tpu.memory_space<vmem>>
      %dma_wait3A_808 = arith.constant 0 : i32
      %dma_wait3A_809 = arith.constant 0 : i32
      %dma_wait3A_810 = tpu.memref_slice %arg3[%dma_wait3A_808, %dma_wait3A_809] : memref<1000000x32xf32, #tpu.memory_space<hbm>> -> memref<1000000x32xf32, #tpu.memory_space<hbm>>
      tpu.wait_indirect_dma semaphore(%arg17 : memref<!tpu.dma_semaphore, #tpu.memory_space<semaphore_mem>>) src(%dma_wait3A_810 : memref<1000000x32xf32, #tpu.memory_space<hbm>>) dst(%arg9 : memref<50x32xf32, #tpu.memory_space<vmem>>)
      %mul3A_811 = arith.constant 8 : i32
      %mul3A_812 = arith.muli %scan3A_477, %mul3A_811 : i32
      %add3A_813 = arith.constant 1 : i32
      %add3A_814 = arith.addi %mul3A_812, %add3A_813 : i32
      %dma_start3A_815 = arith.constant 0 : i32
      %dma_start3A_816 = tpu.memref_slice %arg7[%add3A_814, %dma_start3A_815] : memref<512x50xi32, #tpu.memory_space<vmem>> -> memref<1x50xi32, #tpu.memory_space<vmem>>
      %dma_start3A_817 = tpu.memref_squeeze %dma_start3A_816 : memref<1x50xi32, #tpu.memory_space<vmem>> -> memref<50xi32, #tpu.memory_space<vmem>>
      %dma_start3A_818 = arith.constant 0 : i32
      %dma_start3A_819 = arith.constant 0 : i32
      %dma_start3A_820 = tpu.memref_slice %arg4[%dma_start3A_818, %dma_start3A_819] : memref<1000000x32xf32, #tpu.memory_space<hbm>> -> memref<1000000x32xf32, #tpu.memory_space<hbm>>
      tpu.enqueue_indirect_dma source(%dma_start3A_820 : memref<1000000x32xf32, #tpu.memory_space<hbm>>) target(%arg9 : memref<50x32xf32, #tpu.memory_space<vmem>>) offsets(%dma_start3A_817 : memref<50xi32, #tpu.memory_space<vmem>>) semaphore(%arg17 : memref<!tpu.dma_semaphore, #tpu.memory_space<semaphore_mem>>) {add = true}
      %dma_wait3A_821 = arith.constant 0 : i32
      %dma_wait3A_822 = tpu.memref_slice %arg7[%add3A_692, %dma_wait3A_821] : memref<512x50xi32, #tpu.memory_space<vmem>> -> memref<1x50xi32, #tpu.memory_space<vmem>>
      %dma_wait3A_823 = tpu.memref_squeeze %dma_wait3A_822 : memref<1x50xi32, #tpu.memory_space<vmem>> -> memref<50xi32, #tpu.memory_space<vmem>>
      %dma_wait3A_824 = arith.constant 0 : i32
      %dma_wait3A_825 = arith.constant 0 : i32
      %dma_wait3A_826 = tpu.memref_slice %arg3[%dma_wait3A_824, %dma_wait3A_825] : memref<1000000x32xf32, #tpu.memory_space<hbm>> -> memref<1000000x32xf32, #tpu.memory_space<hbm>>
      tpu.wait_indirect_dma semaphore(%arg18 : memref<!tpu.dma_semaphore, #tpu.memory_space<semaphore_mem>>) src(%dma_wait3A_826 : memref<1000000x32xf32, #tpu.memory_space<hbm>>) dst(%arg10 : memref<50x32xf32, #tpu.memory_space<vmem>>)
      %mul3A_827 = arith.constant 8 : i32
      %mul3A_828 = arith.muli %scan3A_477, %mul3A_827 : i32
      %add3A_829 = arith.constant 2 : i32
      %add3A_830 = arith.addi %mul3A_828, %add3A_829 : i32
      %dma_start3A_831 = arith.constant 0 : i32
      %dma_start3A_832 = tpu.memref_slice %arg7[%add3A_830, %dma_start3A_831] : memref<512x50xi32, #tpu.memory_space<vmem>> -> memref<1x50xi32, #tpu.memory_space<vmem>>
      %dma_start3A_833 = tpu.memref_squeeze %dma_start3A_832 : memref<1x50xi32, #tpu.memory_space<vmem>> -> memref<50xi32, #tpu.memory_space<vmem>>
      %dma_start3A_834 = arith.constant 0 : i32
      %dma_start3A_835 = arith.constant 0 : i32
      %dma_start3A_836 = tpu.memref_slice %arg4[%dma_start3A_834, %dma_start3A_835] : memref<1000000x32xf32, #tpu.memory_space<hbm>> -> memref<1000000x32xf32, #tpu.memory_space<hbm>>
      tpu.enqueue_indirect_dma source(%dma_start3A_836 : memref<1000000x32xf32, #tpu.memory_space<hbm>>) target(%arg10 : memref<50x32xf32, #tpu.memory_space<vmem>>) offsets(%dma_start3A_833 : memref<50xi32, #tpu.memory_space<vmem>>) semaphore(%arg18 : memref<!tpu.dma_semaphore, #tpu.memory_space<semaphore_mem>>) {add = true}
      %dma_wait3A_837 = arith.constant 0 : i32
      %dma_wait3A_838 = tpu.memref_slice %arg7[%add3A_710, %dma_wait3A_837] : memref<512x50xi32, #tpu.memory_space<vmem>> -> memref<1x50xi32, #tpu.memory_space<vmem>>
      %dma_wait3A_839 = tpu.memref_squeeze %dma_wait3A_838 : memref<1x50xi32, #tpu.memory_space<vmem>> -> memref<50xi32, #tpu.memory_space<vmem>>
      %dma_wait3A_840 = arith.constant 0 : i32
      %dma_wait3A_841 = arith.constant 0 : i32
      %dma_wait3A_842 = tpu.memref_slice %arg3[%dma_wait3A_840, %dma_wait3A_841] : memref<1000000x32xf32, #tpu.memory_space<hbm>> -> memref<1000000x32xf32, #tpu.memory_space<hbm>>
      tpu.wait_indirect_dma semaphore(%arg19 : memref<!tpu.dma_semaphore, #tpu.memory_space<semaphore_mem>>) src(%dma_wait3A_842 : memref<1000000x32xf32, #tpu.memory_space<hbm>>) dst(%arg11 : memref<50x32xf32, #tpu.memory_space<vmem>>)
      %mul3A_843 = arith.constant 8 : i32
      %mul3A_844 = arith.muli %scan3A_477, %mul3A_843 : i32
      %add3A_845 = arith.constant 3 : i32
      %add3A_846 = arith.addi %mul3A_844, %add3A_845 : i32
      %dma_start3A_847 = arith.constant 0 : i32
      %dma_start3A_848 = tpu.memref_slice %arg7[%add3A_846, %dma_start3A_847] : memref<512x50xi32, #tpu.memory_space<vmem>> -> memref<1x50xi32, #tpu.memory_space<vmem>>
      %dma_start3A_849 = tpu.memref_squeeze %dma_start3A_848 : memref<1x50xi32, #tpu.memory_space<vmem>> -> memref<50xi32, #tpu.memory_space<vmem>>
      %dma_start3A_850 = arith.constant 0 : i32
      %dma_start3A_851 = arith.constant 0 : i32
      %dma_start3A_852 = tpu.memref_slice %arg4[%dma_start3A_850, %dma_start3A_851] : memref<1000000x32xf32, #tpu.memory_space<hbm>> -> memref<1000000x32xf32, #tpu.memory_space<hbm>>
      tpu.enqueue_indirect_dma source(%dma_start3A_852 : memref<1000000x32xf32, #tpu.memory_space<hbm>>) target(%arg11 : memref<50x32xf32, #tpu.memory_space<vmem>>) offsets(%dma_start3A_849 : memref<50xi32, #tpu.memory_space<vmem>>) semaphore(%arg19 : memref<!tpu.dma_semaphore, #tpu.memory_space<semaphore_mem>>) {add = true}
      %dma_wait3A_853 = arith.constant 0 : i32
      %dma_wait3A_854 = tpu.memref_slice %arg7[%add3A_728, %dma_wait3A_853] : memref<512x50xi32, #tpu.memory_space<vmem>> -> memref<1x50xi32, #tpu.memory_space<vmem>>
      %dma_wait3A_855 = tpu.memref_squeeze %dma_wait3A_854 : memref<1x50xi32, #tpu.memory_space<vmem>> -> memref<50xi32, #tpu.memory_space<vmem>>
      %dma_wait3A_856 = arith.constant 0 : i32
      %dma_wait3A_857 = arith.constant 0 : i32
      %dma_wait3A_858 = tpu.memref_slice %arg3[%dma_wait3A_856, %dma_wait3A_857] : memref<1000000x32xf32, #tpu.memory_space<hbm>> -> memref<1000000x32xf32, #tpu.memory_space<hbm>>
      tpu.wait_indirect_dma semaphore(%arg20 : memref<!tpu.dma_semaphore, #tpu.memory_space<semaphore_mem>>) src(%dma_wait3A_858 : memref<1000000x32xf32, #tpu.memory_space<hbm>>) dst(%arg12 : memref<50x32xf32, #tpu.memory_space<vmem>>)
      %mul3A_859 = arith.constant 8 : i32
      %mul3A_860 = arith.muli %scan3A_477, %mul3A_859 : i32
      %add3A_861 = arith.constant 4 : i32
      %add3A_862 = arith.addi %mul3A_860, %add3A_861 : i32
      %dma_start3A_863 = arith.constant 0 : i32
      %dma_start3A_864 = tpu.memref_slice %arg7[%add3A_862, %dma_start3A_863] : memref<512x50xi32, #tpu.memory_space<vmem>> -> memref<1x50xi32, #tpu.memory_space<vmem>>
      %dma_start3A_865 = tpu.memref_squeeze %dma_start3A_864 : memref<1x50xi32, #tpu.memory_space<vmem>> -> memref<50xi32, #tpu.memory_space<vmem>>
      %dma_start3A_866 = arith.constant 0 : i32
      %dma_start3A_867 = arith.constant 0 : i32
      %dma_start3A_868 = tpu.memref_slice %arg4[%dma_start3A_866, %dma_start3A_867] : memref<1000000x32xf32, #tpu.memory_space<hbm>> -> memref<1000000x32xf32, #tpu.memory_space<hbm>>
      tpu.enqueue_indirect_dma source(%dma_start3A_868 : memref<1000000x32xf32, #tpu.memory_space<hbm>>) target(%arg12 : memref<50x32xf32, #tpu.memory_space<vmem>>) offsets(%dma_start3A_865 : memref<50xi32, #tpu.memory_space<vmem>>) semaphore(%arg20 : memref<!tpu.dma_semaphore, #tpu.memory_space<semaphore_mem>>) {add = true}
      %dma_wait3A_869 = arith.constant 0 : i32
      %dma_wait3A_870 = tpu.memref_slice %arg7[%add3A_746, %dma_wait3A_869] : memref<512x50xi32, #tpu.memory_space<vmem>> -> memref<1x50xi32, #tpu.memory_space<vmem>>
      %dma_wait3A_871 = tpu.memref_squeeze %dma_wait3A_870 : memref<1x50xi32, #tpu.memory_space<vmem>> -> memref<50xi32, #tpu.memory_space<vmem>>
      %dma_wait3A_872 = arith.constant 0 : i32
      %dma_wait3A_873 = arith.constant 0 : i32
      %dma_wait3A_874 = tpu.memref_slice %arg3[%dma_wait3A_872, %dma_wait3A_873] : memref<1000000x32xf32, #tpu.memory_space<hbm>> -> memref<1000000x32xf32, #tpu.memory_space<hbm>>
      tpu.wait_indirect_dma semaphore(%arg21 : memref<!tpu.dma_semaphore, #tpu.memory_space<semaphore_mem>>) src(%dma_wait3A_874 : memref<1000000x32xf32, #tpu.memory_space<hbm>>) dst(%arg13 : memref<50x32xf32, #tpu.memory_space<vmem>>)
      %mul3A_875 = arith.constant 8 : i32
      %mul3A_876 = arith.muli %scan3A_477, %mul3A_875 : i32
      %add3A_877 = arith.constant 5 : i32
      %add3A_878 = arith.addi %mul3A_876, %add3A_877 : i32
      %dma_start3A_879 = arith.constant 0 : i32
      %dma_start3A_880 = tpu.memref_slice %arg7[%add3A_878, %dma_start3A_879] : memref<512x50xi32, #tpu.memory_space<vmem>> -> memref<1x50xi32, #tpu.memory_space<vmem>>
      %dma_start3A_881 = tpu.memref_squeeze %dma_start3A_880 : memref<1x50xi32, #tpu.memory_space<vmem>> -> memref<50xi32, #tpu.memory_space<vmem>>
      %dma_start3A_882 = arith.constant 0 : i32
      %dma_start3A_883 = arith.constant 0 : i32
      %dma_start3A_884 = tpu.memref_slice %arg4[%dma_start3A_882, %dma_start3A_883] : memref<1000000x32xf32, #tpu.memory_space<hbm>> -> memref<1000000x32xf32, #tpu.memory_space<hbm>>
      tpu.enqueue_indirect_dma source(%dma_start3A_884 : memref<1000000x32xf32, #tpu.memory_space<hbm>>) target(%arg13 : memref<50x32xf32, #tpu.memory_space<vmem>>) offsets(%dma_start3A_881 : memref<50xi32, #tpu.memory_space<vmem>>) semaphore(%arg21 : memref<!tpu.dma_semaphore, #tpu.memory_space<semaphore_mem>>) {add = true}
      %dma_wait3A_885 = arith.constant 0 : i32
      %dma_wait3A_886 = tpu.memref_slice %arg7[%add3A_764, %dma_wait3A_885] : memref<512x50xi32, #tpu.memory_space<vmem>> -> memref<1x50xi32, #tpu.memory_space<vmem>>
      %dma_wait3A_887 = tpu.memref_squeeze %dma_wait3A_886 : memref<1x50xi32, #tpu.memory_space<vmem>> -> memref<50xi32, #tpu.memory_space<vmem>>
      %dma_wait3A_888 = arith.constant 0 : i32
      %dma_wait3A_889 = arith.constant 0 : i32
      %dma_wait3A_890 = tpu.memref_slice %arg3[%dma_wait3A_888, %dma_wait3A_889] : memref<1000000x32xf32, #tpu.memory_space<hbm>> -> memref<1000000x32xf32, #tpu.memory_space<hbm>>
      tpu.wait_indirect_dma semaphore(%arg22 : memref<!tpu.dma_semaphore, #tpu.memory_space<semaphore_mem>>) src(%dma_wait3A_890 : memref<1000000x32xf32, #tpu.memory_space<hbm>>) dst(%arg14 : memref<50x32xf32, #tpu.memory_space<vmem>>)
      %mul3A_891 = arith.constant 8 : i32
      %mul3A_892 = arith.muli %scan3A_477, %mul3A_891 : i32
      %add3A_893 = arith.constant 6 : i32
      %add3A_894 = arith.addi %mul3A_892, %add3A_893 : i32
      %dma_start3A_895 = arith.constant 0 : i32
      %dma_start3A_896 = tpu.memref_slice %arg7[%add3A_894, %dma_start3A_895] : memref<512x50xi32, #tpu.memory_space<vmem>> -> memref<1x50xi32, #tpu.memory_space<vmem>>
      %dma_start3A_897 = tpu.memref_squeeze %dma_start3A_896 : memref<1x50xi32, #tpu.memory_space<vmem>> -> memref<50xi32, #tpu.memory_space<vmem>>
      %dma_start3A_898 = arith.constant 0 : i32
      %dma_start3A_899 = arith.constant 0 : i32
      %dma_start3A_900 = tpu.memref_slice %arg4[%dma_start3A_898, %dma_start3A_899] : memref<1000000x32xf32, #tpu.memory_space<hbm>> -> memref<1000000x32xf32, #tpu.memory_space<hbm>>
      tpu.enqueue_indirect_dma source(%dma_start3A_900 : memref<1000000x32xf32, #tpu.memory_space<hbm>>) target(%arg14 : memref<50x32xf32, #tpu.memory_space<vmem>>) offsets(%dma_start3A_897 : memref<50xi32, #tpu.memory_space<vmem>>) semaphore(%arg22 : memref<!tpu.dma_semaphore, #tpu.memory_space<semaphore_mem>>) {add = true}
      %dma_wait3A_901 = arith.constant 0 : i32
      %dma_wait3A_902 = tpu.memref_slice %arg7[%add3A_782, %dma_wait3A_901] : memref<512x50xi32, #tpu.memory_space<vmem>> -> memref<1x50xi32, #tpu.memory_space<vmem>>
      %dma_wait3A_903 = tpu.memref_squeeze %dma_wait3A_902 : memref<1x50xi32, #tpu.memory_space<vmem>> -> memref<50xi32, #tpu.memory_space<vmem>>
      %dma_wait3A_904 = arith.constant 0 : i32
      %dma_wait3A_905 = arith.constant 0 : i32
      %dma_wait3A_906 = tpu.memref_slice %arg3[%dma_wait3A_904, %dma_wait3A_905] : memref<1000000x32xf32, #tpu.memory_space<hbm>> -> memref<1000000x32xf32, #tpu.memory_space<hbm>>
      tpu.wait_indirect_dma semaphore(%arg23 : memref<!tpu.dma_semaphore, #tpu.memory_space<semaphore_mem>>) src(%dma_wait3A_906 : memref<1000000x32xf32, #tpu.memory_space<hbm>>) dst(%arg15 : memref<50x32xf32, #tpu.memory_space<vmem>>)
      %mul3A_907 = arith.constant 8 : i32
      %mul3A_908 = arith.muli %scan3A_477, %mul3A_907 : i32
      %add3A_909 = arith.constant 7 : i32
      %add3A_910 = arith.addi %mul3A_908, %add3A_909 : i32
      %dma_start3A_911 = arith.constant 0 : i32
      %dma_start3A_912 = tpu.memref_slice %arg7[%add3A_910, %dma_start3A_911] : memref<512x50xi32, #tpu.memory_space<vmem>> -> memref<1x50xi32, #tpu.memory_space<vmem>>
      %dma_start3A_913 = tpu.memref_squeeze %dma_start3A_912 : memref<1x50xi32, #tpu.memory_space<vmem>> -> memref<50xi32, #tpu.memory_space<vmem>>
      %dma_start3A_914 = arith.constant 0 : i32
      %dma_start3A_915 = arith.constant 0 : i32
      %dma_start3A_916 = tpu.memref_slice %arg4[%dma_start3A_914, %dma_start3A_915] : memref<1000000x32xf32, #tpu.memory_space<hbm>> -> memref<1000000x32xf32, #tpu.memory_space<hbm>>
      tpu.enqueue_indirect_dma source(%dma_start3A_916 : memref<1000000x32xf32, #tpu.memory_space<hbm>>) target(%arg15 : memref<50x32xf32, #tpu.memory_space<vmem>>) offsets(%dma_start3A_913 : memref<50xi32, #tpu.memory_space<vmem>>) semaphore(%arg23 : memref<!tpu.dma_semaphore, #tpu.memory_space<semaphore_mem>>) {add = true}
      %dma_wait3A_917 = arith.constant 0 : i32
      %dma_wait3A_918 = tpu.memref_slice %arg7[%add3A_798, %dma_wait3A_917] : memref<512x50xi32, #tpu.memory_space<vmem>> -> memref<1x50xi32, #tpu.memory_space<vmem>>
      %dma_wait3A_919 = tpu.memref_squeeze %dma_wait3A_918 : memref<1x50xi32, #tpu.memory_space<vmem>> -> memref<50xi32, #tpu.memory_space<vmem>>
      %dma_wait3A_920 = arith.constant 0 : i32
      %dma_wait3A_921 = arith.constant 0 : i32
      %dma_wait3A_922 = tpu.memref_slice %arg4[%dma_wait3A_920, %dma_wait3A_921] : memref<1000000x32xf32, #tpu.memory_space<hbm>> -> memref<1000000x32xf32, #tpu.memory_space<hbm>>
      tpu.wait_indirect_dma semaphore(%arg16 : memref<!tpu.dma_semaphore, #tpu.memory_space<semaphore_mem>>) src(%dma_wait3A_922 : memref<1000000x32xf32, #tpu.memory_space<hbm>>) dst(%arg8 : memref<50x32xf32, #tpu.memory_space<vmem>>)
      %mul3A_923 = arith.constant 8 : i32
      %mul3A_924 = arith.muli %scan3A_477, %mul3A_923 : i32
      %add3A_925 = arith.constant 0 : i32
      %add3A_926 = arith.addi %mul3A_924, %add3A_925 : i32
      %dma_start3A_927 = arith.constant 0 : i32
      %dma_start3A_928 = tpu.memref_slice %arg7[%add3A_926, %dma_start3A_927] : memref<512x50xi32, #tpu.memory_space<vmem>> -> memref<1x50xi32, #tpu.memory_space<vmem>>
      %dma_start3A_929 = tpu.memref_squeeze %dma_start3A_928 : memref<1x50xi32, #tpu.memory_space<vmem>> -> memref<50xi32, #tpu.memory_space<vmem>>
      %dma_start3A_930 = arith.constant 0 : i32
      %dma_start3A_931 = arith.constant 0 : i32
      %dma_start3A_932 = tpu.memref_slice %arg5[%dma_start3A_930, %dma_start3A_931] : memref<1000000x32xf32, #tpu.memory_space<hbm>> -> memref<1000000x32xf32, #tpu.memory_space<hbm>>
      tpu.enqueue_indirect_dma source(%dma_start3A_932 : memref<1000000x32xf32, #tpu.memory_space<hbm>>) target(%arg8 : memref<50x32xf32, #tpu.memory_space<vmem>>) offsets(%dma_start3A_929 : memref<50xi32, #tpu.memory_space<vmem>>) semaphore(%arg16 : memref<!tpu.dma_semaphore, #tpu.memory_space<semaphore_mem>>) {add = true}
      %dma_wait3A_933 = arith.constant 0 : i32
      %dma_wait3A_934 = tpu.memref_slice %arg7[%add3A_814, %dma_wait3A_933] : memref<512x50xi32, #tpu.memory_space<vmem>> -> memref<1x50xi32, #tpu.memory_space<vmem>>
      %dma_wait3A_935 = tpu.memref_squeeze %dma_wait3A_934 : memref<1x50xi32, #tpu.memory_space<vmem>> -> memref<50xi32, #tpu.memory_space<vmem>>
      %dma_wait3A_936 = arith.constant 0 : i32
      %dma_wait3A_937 = arith.constant 0 : i32
      %dma_wait3A_938 = tpu.memref_slice %arg4[%dma_wait3A_936, %dma_wait3A_937] : memref<1000000x32xf32, #tpu.memory_space<hbm>> -> memref<1000000x32xf32, #tpu.memory_space<hbm>>
      tpu.wait_indirect_dma semaphore(%arg17 : memref<!tpu.dma_semaphore, #tpu.memory_space<semaphore_mem>>) src(%dma_wait3A_938 : memref<1000000x32xf32, #tpu.memory_space<hbm>>) dst(%arg9 : memref<50x32xf32, #tpu.memory_space<vmem>>)
      %mul3A_939 = arith.constant 8 : i32
      %mul3A_940 = arith.muli %scan3A_477, %mul3A_939 : i32
      %add3A_941 = arith.constant 1 : i32
      %add3A_942 = arith.addi %mul3A_940, %add3A_941 : i32
      %dma_start3A_943 = arith.constant 0 : i32
      %dma_start3A_944 = tpu.memref_slice %arg7[%add3A_942, %dma_start3A_943] : memref<512x50xi32, #tpu.memory_space<vmem>> -> memref<1x50xi32, #tpu.memory_space<vmem>>
      %dma_start3A_945 = tpu.memref_squeeze %dma_start3A_944 : memref<1x50xi32, #tpu.memory_space<vmem>> -> memref<50xi32, #tpu.memory_space<vmem>>
      %dma_start3A_946 = arith.constant 0 : i32
      %dma_start3A_947 = arith.constant 0 : i32
      %dma_start3A_948 = tpu.memref_slice %arg5[%dma_start3A_946, %dma_start3A_947] : memref<1000000x32xf32, #tpu.memory_space<hbm>> -> memref<1000000x32xf32, #tpu.memory_space<hbm>>
      tpu.enqueue_indirect_dma source(%dma_start3A_948 : memref<1000000x32xf32, #tpu.memory_space<hbm>>) target(%arg9 : memref<50x32xf32, #tpu.memory_space<vmem>>) offsets(%dma_start3A_945 : memref<50xi32, #tpu.memory_space<vmem>>) semaphore(%arg17 : memref<!tpu.dma_semaphore, #tpu.memory_space<semaphore_mem>>) {add = true}
      %dma_wait3A_949 = arith.constant 0 : i32
      %dma_wait3A_950 = tpu.memref_slice %arg7[%add3A_830, %dma_wait3A_949] : memref<512x50xi32, #tpu.memory_space<vmem>> -> memref<1x50xi32, #tpu.memory_space<vmem>>
      %dma_wait3A_951 = tpu.memref_squeeze %dma_wait3A_950 : memref<1x50xi32, #tpu.memory_space<vmem>> -> memref<50xi32, #tpu.memory_space<vmem>>
      %dma_wait3A_952 = arith.constant 0 : i32
      %dma_wait3A_953 = arith.constant 0 : i32
      %dma_wait3A_954 = tpu.memref_slice %arg4[%dma_wait3A_952, %dma_wait3A_953] : memref<1000000x32xf32, #tpu.memory_space<hbm>> -> memref<1000000x32xf32, #tpu.memory_space<hbm>>
      tpu.wait_indirect_dma semaphore(%arg18 : memref<!tpu.dma_semaphore, #tpu.memory_space<semaphore_mem>>) src(%dma_wait3A_954 : memref<1000000x32xf32, #tpu.memory_space<hbm>>) dst(%arg10 : memref<50x32xf32, #tpu.memory_space<vmem>>)
      %mul3A_955 = arith.constant 8 : i32
      %mul3A_956 = arith.muli %scan3A_477, %mul3A_955 : i32
      %add3A_957 = arith.constant 2 : i32
      %add3A_958 = arith.addi %mul3A_956, %add3A_957 : i32
      %dma_start3A_959 = arith.constant 0 : i32
      %dma_start3A_960 = tpu.memref_slice %arg7[%add3A_958, %dma_start3A_959] : memref<512x50xi32, #tpu.memory_space<vmem>> -> memref<1x50xi32, #tpu.memory_space<vmem>>
      %dma_start3A_961 = tpu.memref_squeeze %dma_start3A_960 : memref<1x50xi32, #tpu.memory_space<vmem>> -> memref<50xi32, #tpu.memory_space<vmem>>
      %dma_start3A_962 = arith.constant 0 : i32
      %dma_start3A_963 = arith.constant 0 : i32
      %dma_start3A_964 = tpu.memref_slice %arg5[%dma_start3A_962, %dma_start3A_963] : memref<1000000x32xf32, #tpu.memory_space<hbm>> -> memref<1000000x32xf32, #tpu.memory_space<hbm>>
      tpu.enqueue_indirect_dma source(%dma_start3A_964 : memref<1000000x32xf32, #tpu.memory_space<hbm>>) target(%arg10 : memref<50x32xf32, #tpu.memory_space<vmem>>) offsets(%dma_start3A_961 : memref<50xi32, #tpu.memory_space<vmem>>) semaphore(%arg18 : memref<!tpu.dma_semaphore, #tpu.memory_space<semaphore_mem>>) {add = true}
      %dma_wait3A_965 = arith.constant 0 : i32
      %dma_wait3A_966 = tpu.memref_slice %arg7[%add3A_846, %dma_wait3A_965] : memref<512x50xi32, #tpu.memory_space<vmem>> -> memref<1x50xi32, #tpu.memory_space<vmem>>
      %dma_wait3A_967 = tpu.memref_squeeze %dma_wait3A_966 : memref<1x50xi32, #tpu.memory_space<vmem>> -> memref<50xi32, #tpu.memory_space<vmem>>
      %dma_wait3A_968 = arith.constant 0 : i32
      %dma_wait3A_969 = arith.constant 0 : i32
      %dma_wait3A_970 = tpu.memref_slice %arg4[%dma_wait3A_968, %dma_wait3A_969] : memref<1000000x32xf32, #tpu.memory_space<hbm>> -> memref<1000000x32xf32, #tpu.memory_space<hbm>>
      tpu.wait_indirect_dma semaphore(%arg19 : memref<!tpu.dma_semaphore, #tpu.memory_space<semaphore_mem>>) src(%dma_wait3A_970 : memref<1000000x32xf32, #tpu.memory_space<hbm>>) dst(%arg11 : memref<50x32xf32, #tpu.memory_space<vmem>>)
      %mul3A_971 = arith.constant 8 : i32
      %mul3A_972 = arith.muli %scan3A_477, %mul3A_971 : i32
      %add3A_973 = arith.constant 3 : i32
      %add3A_974 = arith.addi %mul3A_972, %add3A_973 : i32
      %dma_start3A_975 = arith.constant 0 : i32
      %dma_start3A_976 = tpu.memref_slice %arg7[%add3A_974, %dma_start3A_975] : memref<512x50xi32, #tpu.memory_space<vmem>> -> memref<1x50xi32, #tpu.memory_space<vmem>>
      %dma_start3A_977 = tpu.memref_squeeze %dma_start3A_976 : memref<1x50xi32, #tpu.memory_space<vmem>> -> memref<50xi32, #tpu.memory_space<vmem>>
      %dma_start3A_978 = arith.constant 0 : i32
      %dma_start3A_979 = arith.constant 0 : i32
      %dma_start3A_980 = tpu.memref_slice %arg5[%dma_start3A_978, %dma_start3A_979] : memref<1000000x32xf32, #tpu.memory_space<hbm>> -> memref<1000000x32xf32, #tpu.memory_space<hbm>>
      tpu.enqueue_indirect_dma source(%dma_start3A_980 : memref<1000000x32xf32, #tpu.memory_space<hbm>>) target(%arg11 : memref<50x32xf32, #tpu.memory_space<vmem>>) offsets(%dma_start3A_977 : memref<50xi32, #tpu.memory_space<vmem>>) semaphore(%arg19 : memref<!tpu.dma_semaphore, #tpu.memory_space<semaphore_mem>>) {add = true}
      %dma_wait3A_981 = arith.constant 0 : i32
      %dma_wait3A_982 = tpu.memref_slice %arg7[%add3A_862, %dma_wait3A_981] : memref<512x50xi32, #tpu.memory_space<vmem>> -> memref<1x50xi32, #tpu.memory_space<vmem>>
      %dma_wait3A_983 = tpu.memref_squeeze %dma_wait3A_982 : memref<1x50xi32, #tpu.memory_space<vmem>> -> memref<50xi32, #tpu.memory_space<vmem>>
      %dma_wait3A_984 = arith.constant 0 : i32
      %dma_wait3A_985 = arith.constant 0 : i32
      %dma_wait3A_986 = tpu.memref_slice %arg4[%dma_wait3A_984, %dma_wait3A_985] : memref<1000000x32xf32, #tpu.memory_space<hbm>> -> memref<1000000x32xf32, #tpu.memory_space<hbm>>
      tpu.wait_indirect_dma semaphore(%arg20 : memref<!tpu.dma_semaphore, #tpu.memory_space<semaphore_mem>>) src(%dma_wait3A_986 : memref<1000000x32xf32, #tpu.memory_space<hbm>>) dst(%arg12 : memref<50x32xf32, #tpu.memory_space<vmem>>)
      %mul3A_987 = arith.constant 8 : i32
      %mul3A_988 = arith.muli %scan3A_477, %mul3A_987 : i32
      %add3A_989 = arith.constant 4 : i32
      %add3A_990 = arith.addi %mul3A_988, %add3A_989 : i32
      %dma_start3A_991 = arith.constant 0 : i32
      %dma_start3A_992 = tpu.memref_slice %arg7[%add3A_990, %dma_start3A_991] : memref<512x50xi32, #tpu.memory_space<vmem>> -> memref<1x50xi32, #tpu.memory_space<vmem>>
      %dma_start3A_993 = tpu.memref_squeeze %dma_start3A_992 : memref<1x50xi32, #tpu.memory_space<vmem>> -> memref<50xi32, #tpu.memory_space<vmem>>
      %dma_start3A_994 = arith.constant 0 : i32
      %dma_start3A_995 = arith.constant 0 : i32
      %dma_start3A_996 = tpu.memref_slice %arg5[%dma_start3A_994, %dma_start3A_995] : memref<1000000x32xf32, #tpu.memory_space<hbm>> -> memref<1000000x32xf32, #tpu.memory_space<hbm>>
      tpu.enqueue_indirect_dma source(%dma_start3A_996 : memref<1000000x32xf32, #tpu.memory_space<hbm>>) target(%arg12 : memref<50x32xf32, #tpu.memory_space<vmem>>) offsets(%dma_start3A_993 : memref<50xi32, #tpu.memory_space<vmem>>) semaphore(%arg20 : memref<!tpu.dma_semaphore, #tpu.memory_space<semaphore_mem>>) {add = true}
      %dma_wait3A_997 = arith.constant 0 : i32
      %dma_wait3A_998 = tpu.memref_slice %arg7[%add3A_878, %dma_wait3A_997] : memref<512x50xi32, #tpu.memory_space<vmem>> -> memref<1x50xi32, #tpu.memory_space<vmem>>
      %dma_wait3A_999 = tpu.memref_squeeze %dma_wait3A_998 : memref<1x50xi32, #tpu.memory_space<vmem>> -> memref<50xi32, #tpu.memory_space<vmem>>
      %dma_wait3A_1000 = arith.constant 0 : i32
      %dma_wait3A_1001 = arith.constant 0 : i32
      %dma_wait3A_1002 = tpu.memref_slice %arg4[%dma_wait3A_1000, %dma_wait3A_1001] : memref<1000000x32xf32, #tpu.memory_space<hbm>> -> memref<1000000x32xf32, #tpu.memory_space<hbm>>
      tpu.wait_indirect_dma semaphore(%arg21 : memref<!tpu.dma_semaphore, #tpu.memory_space<semaphore_mem>>) src(%dma_wait3A_1002 : memref<1000000x32xf32, #tpu.memory_space<hbm>>) dst(%arg13 : memref<50x32xf32, #tpu.memory_space<vmem>>)
      %mul3A_1003 = arith.constant 8 : i32
      %mul3A_1004 = arith.muli %scan3A_477, %mul3A_1003 : i32
      %add3A_1005 = arith.constant 5 : i32
      %add3A_1006 = arith.addi %mul3A_1004, %add3A_1005 : i32
      %dma_start3A_1007 = arith.constant 0 : i32
      %dma_start3A_1008 = tpu.memref_slice %arg7[%add3A_1006, %dma_start3A_1007] : memref<512x50xi32, #tpu.memory_space<vmem>> -> memref<1x50xi32, #tpu.memory_space<vmem>>
      %dma_start3A_1009 = tpu.memref_squeeze %dma_start3A_1008 : memref<1x50xi32, #tpu.memory_space<vmem>> -> memref<50xi32, #tpu.memory_space<vmem>>
      %dma_start3A_1010 = arith.constant 0 : i32
      %dma_start3A_1011 = arith.constant 0 : i32
      %dma_start3A_1012 = tpu.memref_slice %arg5[%dma_start3A_1010, %dma_start3A_1011] : memref<1000000x32xf32, #tpu.memory_space<hbm>> -> memref<1000000x32xf32, #tpu.memory_space<hbm>>
      tpu.enqueue_indirect_dma source(%dma_start3A_1012 : memref<1000000x32xf32, #tpu.memory_space<hbm>>) target(%arg13 : memref<50x32xf32, #tpu.memory_space<vmem>>) offsets(%dma_start3A_1009 : memref<50xi32, #tpu.memory_space<vmem>>) semaphore(%arg21 : memref<!tpu.dma_semaphore, #tpu.memory_space<semaphore_mem>>) {add = true}
      %dma_wait3A_1013 = arith.constant 0 : i32
      %dma_wait3A_1014 = tpu.memref_slice %arg7[%add3A_894, %dma_wait3A_1013] : memref<512x50xi32, #tpu.memory_space<vmem>> -> memref<1x50xi32, #tpu.memory_space<vmem>>
      %dma_wait3A_1015 = tpu.memref_squeeze %dma_wait3A_1014 : memref<1x50xi32, #tpu.memory_space<vmem>> -> memref<50xi32, #tpu.memory_space<vmem>>
      %dma_wait3A_1016 = arith.constant 0 : i32
      %dma_wait3A_1017 = arith.constant 0 : i32
      %dma_wait3A_1018 = tpu.memref_slice %arg4[%dma_wait3A_1016, %dma_wait3A_1017] : memref<1000000x32xf32, #tpu.memory_space<hbm>> -> memref<1000000x32xf32, #tpu.memory_space<hbm>>
      tpu.wait_indirect_dma semaphore(%arg22 : memref<!tpu.dma_semaphore, #tpu.memory_space<semaphore_mem>>) src(%dma_wait3A_1018 : memref<1000000x32xf32, #tpu.memory_space<hbm>>) dst(%arg14 : memref<50x32xf32, #tpu.memory_space<vmem>>)
      %mul3A_1019 = arith.constant 8 : i32
      %mul3A_1020 = arith.muli %scan3A_477, %mul3A_1019 : i32
      %add3A_1021 = arith.constant 6 : i32
      %add3A_1022 = arith.addi %mul3A_1020, %add3A_1021 : i32
      %dma_start3A_1023 = arith.constant 0 : i32
      %dma_start3A_1024 = tpu.memref_slice %arg7[%add3A_1022, %dma_start3A_1023] : memref<512x50xi32, #tpu.memory_space<vmem>> -> memref<1x50xi32, #tpu.memory_space<vmem>>
      %dma_start3A_1025 = tpu.memref_squeeze %dma_start3A_1024 : memref<1x50xi32, #tpu.memory_space<vmem>> -> memref<50xi32, #tpu.memory_space<vmem>>
      %dma_start3A_1026 = arith.constant 0 : i32
      %dma_start3A_1027 = arith.constant 0 : i32
      %dma_start3A_1028 = tpu.memref_slice %arg5[%dma_start3A_1026, %dma_start3A_1027] : memref<1000000x32xf32, #tpu.memory_space<hbm>> -> memref<1000000x32xf32, #tpu.memory_space<hbm>>
      tpu.enqueue_indirect_dma source(%dma_start3A_1028 : memref<1000000x32xf32, #tpu.memory_space<hbm>>) target(%arg14 : memref<50x32xf32, #tpu.memory_space<vmem>>) offsets(%dma_start3A_1025 : memref<50xi32, #tpu.memory_space<vmem>>) semaphore(%arg22 : memref<!tpu.dma_semaphore, #tpu.memory_space<semaphore_mem>>) {add = true}
      %dma_wait3A_1029 = arith.constant 0 : i32
      %dma_wait3A_1030 = tpu.memref_slice %arg7[%add3A_910, %dma_wait3A_1029] : memref<512x50xi32, #tpu.memory_space<vmem>> -> memref<1x50xi32, #tpu.memory_space<vmem>>
      %dma_wait3A_1031 = tpu.memref_squeeze %dma_wait3A_1030 : memref<1x50xi32, #tpu.memory_space<vmem>> -> memref<50xi32, #tpu.memory_space<vmem>>
      %dma_wait3A_1032 = arith.constant 0 : i32
      %dma_wait3A_1033 = arith.constant 0 : i32
      %dma_wait3A_1034 = tpu.memref_slice %arg4[%dma_wait3A_1032, %dma_wait3A_1033] : memref<1000000x32xf32, #tpu.memory_space<hbm>> -> memref<1000000x32xf32, #tpu.memory_space<hbm>>
      tpu.wait_indirect_dma semaphore(%arg23 : memref<!tpu.dma_semaphore, #tpu.memory_space<semaphore_mem>>) src(%dma_wait3A_1034 : memref<1000000x32xf32, #tpu.memory_space<hbm>>) dst(%arg15 : memref<50x32xf32, #tpu.memory_space<vmem>>)
      %mul3A_1035 = arith.constant 8 : i32
      %mul3A_1036 = arith.muli %scan3A_477, %mul3A_1035 : i32
      %add3A_1037 = arith.constant 7 : i32
      %add3A_1038 = arith.addi %mul3A_1036, %add3A_1037 : i32
      %dma_start3A_1039 = arith.constant 0 : i32
      %dma_start3A_1040 = tpu.memref_slice %arg7[%add3A_1038, %dma_start3A_1039] : memref<512x50xi32, #tpu.memory_space<vmem>> -> memref<1x50xi32, #tpu.memory_space<vmem>>
      %dma_start3A_1041 = tpu.memref_squeeze %dma_start3A_1040 : memref<1x50xi32, #tpu.memory_space<vmem>> -> memref<50xi32, #tpu.memory_space<vmem>>
      %dma_start3A_1042 = arith.constant 0 : i32
      %dma_start3A_1043 = arith.constant 0 : i32
      %dma_start3A_1044 = tpu.memref_slice %arg5[%dma_start3A_1042, %dma_start3A_1043] : memref<1000000x32xf32, #tpu.memory_space<hbm>> -> memref<1000000x32xf32, #tpu.memory_space<hbm>>
      tpu.enqueue_indirect_dma source(%dma_start3A_1044 : memref<1000000x32xf32, #tpu.memory_space<hbm>>) target(%arg15 : memref<50x32xf32, #tpu.memory_space<vmem>>) offsets(%dma_start3A_1041 : memref<50xi32, #tpu.memory_space<vmem>>) semaphore(%arg23 : memref<!tpu.dma_semaphore, #tpu.memory_space<semaphore_mem>>) {add = true}
    }
    %scan3A_284 = arith.constant 63 : i32
    %dma_wait3A_285 = arith.constant 0 : i32
    %dma_wait3A_286 = arith.constant 0 : i32
    %dma_wait3A_287 = tpu.memref_slice %arg3[%dma_wait3A_285, %dma_wait3A_286] : memref<1000000x32xf32, #tpu.memory_space<hbm>> -> memref<50x32xf32, #tpu.memory_space<hbm>>
    %dma_wait3A_288 = arith.constant 0 : i32
    %dma_wait3A_289 = arith.constant 0 : i32
    %dma_wait3A_290 = tpu.memref_slice %arg3[%dma_wait3A_288, %dma_wait3A_289] : memref<1000000x32xf32, #tpu.memory_space<hbm>> -> memref<50x32xf32, #tpu.memory_space<hbm>>
    tpu.wait_dma2 semaphore(%arg16 : memref<!tpu.dma_semaphore, #tpu.memory_space<semaphore_mem>>) src(%dma_wait3A_290 : memref<50x32xf32, #tpu.memory_space<hbm>>) dst(%arg8 : memref<50x32xf32, #tpu.memory_space<vmem>>)
    %add3A_291 = arith.constant 504 : i32
    %add3A_292 = arith.addi %mul3A_2, %add3A_291 : i32
    %dma_start3A_293 = arith.constant 0 : i32
    %dma_start3A_294 = arith.constant 0 : i32
    %dma_start3A_295 = tpu.memref_slice %arg6[%add3A_292, %dma_start3A_293, %dma_start3A_294] : memref<16384x50x32xf32, #tpu.memory_space<hbm>> -> memref<1x50x32xf32, #tpu.memory_space<hbm>>
    %dma_start3A_296 = tpu.memref_squeeze %dma_start3A_295 : memref<1x50x32xf32, #tpu.memory_space<hbm>> -> memref<50x32xf32, #tpu.memory_space<hbm>>
    %dma_start3A_297 = arith.constant 0 : i32
    %dma_start3A_298 = arith.constant 0 : i32
    %dma_start3A_299 = tpu.memref_slice %arg6[%add3A_292, %dma_start3A_297, %dma_start3A_298] : memref<16384x50x32xf32, #tpu.memory_space<hbm>> -> memref<1x50x32xf32, #tpu.memory_space<hbm>>
    %dma_start3A_300 = tpu.memref_squeeze %dma_start3A_299 : memref<1x50x32xf32, #tpu.memory_space<hbm>> -> memref<50x32xf32, #tpu.memory_space<hbm>>
    tpu.enqueue_dma source(%arg8 : memref<50x32xf32, #tpu.memory_space<vmem>>) target(%dma_start3A_300 : memref<50x32xf32, #tpu.memory_space<hbm>>) target_semaphore(%arg24 : memref<!tpu.dma_semaphore, #tpu.memory_space<semaphore_mem>>)
    %dma_wait3A_301 = arith.constant 0 : i32
    %dma_wait3A_302 = arith.constant 0 : i32
    %dma_wait3A_303 = tpu.memref_slice %arg3[%dma_wait3A_301, %dma_wait3A_302] : memref<1000000x32xf32, #tpu.memory_space<hbm>> -> memref<50x32xf32, #tpu.memory_space<hbm>>
    %dma_wait3A_304 = arith.constant 0 : i32
    %dma_wait3A_305 = arith.constant 0 : i32
    %dma_wait3A_306 = tpu.memref_slice %arg3[%dma_wait3A_304, %dma_wait3A_305] : memref<1000000x32xf32, #tpu.memory_space<hbm>> -> memref<50x32xf32, #tpu.memory_space<hbm>>
    tpu.wait_dma2 semaphore(%arg17 : memref<!tpu.dma_semaphore, #tpu.memory_space<semaphore_mem>>) src(%dma_wait3A_306 : memref<50x32xf32, #tpu.memory_space<hbm>>) dst(%arg9 : memref<50x32xf32, #tpu.memory_space<vmem>>)
    %add3A_307 = arith.constant 505 : i32
    %add3A_308 = arith.addi %mul3A_2, %add3A_307 : i32
    %dma_start3A_309 = arith.constant 0 : i32
    %dma_start3A_310 = arith.constant 0 : i32
    %dma_start3A_311 = tpu.memref_slice %arg6[%add3A_308, %dma_start3A_309, %dma_start3A_310] : memref<16384x50x32xf32, #tpu.memory_space<hbm>> -> memref<1x50x32xf32, #tpu.memory_space<hbm>>
    %dma_start3A_312 = tpu.memref_squeeze %dma_start3A_311 : memref<1x50x32xf32, #tpu.memory_space<hbm>> -> memref<50x32xf32, #tpu.memory_space<hbm>>
    %dma_start3A_313 = arith.constant 0 : i32
    %dma_start3A_314 = arith.constant 0 : i32
    %dma_start3A_315 = tpu.memref_slice %arg6[%add3A_308, %dma_start3A_313, %dma_start3A_314] : memref<16384x50x32xf32, #tpu.memory_space<hbm>> -> memref<1x50x32xf32, #tpu.memory_space<hbm>>
    %dma_start3A_316 = tpu.memref_squeeze %dma_start3A_315 : memref<1x50x32xf32, #tpu.memory_space<hbm>> -> memref<50x32xf32, #tpu.memory_space<hbm>>
    tpu.enqueue_dma source(%arg9 : memref<50x32xf32, #tpu.memory_space<vmem>>) target(%dma_start3A_316 : memref<50x32xf32, #tpu.memory_space<hbm>>) target_semaphore(%arg25 : memref<!tpu.dma_semaphore, #tpu.memory_space<semaphore_mem>>)
    %dma_wait3A_317 = arith.constant 0 : i32
    %dma_wait3A_318 = arith.constant 0 : i32
    %dma_wait3A_319 = tpu.memref_slice %arg3[%dma_wait3A_317, %dma_wait3A_318] : memref<1000000x32xf32, #tpu.memory_space<hbm>> -> memref<50x32xf32, #tpu.memory_space<hbm>>
    %dma_wait3A_320 = arith.constant 0 : i32
    %dma_wait3A_321 = arith.constant 0 : i32
    %dma_wait3A_322 = tpu.memref_slice %arg3[%dma_wait3A_320, %dma_wait3A_321] : memref<1000000x32xf32, #tpu.memory_space<hbm>> -> memref<50x32xf32, #tpu.memory_space<hbm>>
    tpu.wait_dma2 semaphore(%arg18 : memref<!tpu.dma_semaphore, #tpu.memory_space<semaphore_mem>>) src(%dma_wait3A_322 : memref<50x32xf32, #tpu.memory_space<hbm>>) dst(%arg10 : memref<50x32xf32, #tpu.memory_space<vmem>>)
    %add3A_323 = arith.constant 506 : i32
    %add3A_324 = arith.addi %mul3A_2, %add3A_323 : i32
    %dma_start3A_325 = arith.constant 0 : i32
    %dma_start3A_326 = arith.constant 0 : i32
    %dma_start3A_327 = tpu.memref_slice %arg6[%add3A_324, %dma_start3A_325, %dma_start3A_326] : memref<16384x50x32xf32, #tpu.memory_space<hbm>> -> memref<1x50x32xf32, #tpu.memory_space<hbm>>
    %dma_start3A_328 = tpu.memref_squeeze %dma_start3A_327 : memref<1x50x32xf32, #tpu.memory_space<hbm>> -> memref<50x32xf32, #tpu.memory_space<hbm>>
    %dma_start3A_329 = arith.constant 0 : i32
    %dma_start3A_330 = arith.constant 0 : i32
    %dma_start3A_331 = tpu.memref_slice %arg6[%add3A_324, %dma_start3A_329, %dma_start3A_330] : memref<16384x50x32xf32, #tpu.memory_space<hbm>> -> memref<1x50x32xf32, #tpu.memory_space<hbm>>
    %dma_start3A_332 = tpu.memref_squeeze %dma_start3A_331 : memref<1x50x32xf32, #tpu.memory_space<hbm>> -> memref<50x32xf32, #tpu.memory_space<hbm>>
    tpu.enqueue_dma source(%arg10 : memref<50x32xf32, #tpu.memory_space<vmem>>) target(%dma_start3A_332 : memref<50x32xf32, #tpu.memory_space<hbm>>) target_semaphore(%arg26 : memref<!tpu.dma_semaphore, #tpu.memory_space<semaphore_mem>>)
    %dma_wait3A_333 = arith.constant 0 : i32
    %dma_wait3A_334 = arith.constant 0 : i32
    %dma_wait3A_335 = tpu.memref_slice %arg3[%dma_wait3A_333, %dma_wait3A_334] : memref<1000000x32xf32, #tpu.memory_space<hbm>> -> memref<50x32xf32, #tpu.memory_space<hbm>>
    %dma_wait3A_336 = arith.constant 0 : i32
    %dma_wait3A_337 = arith.constant 0 : i32
    %dma_wait3A_338 = tpu.memref_slice %arg3[%dma_wait3A_336, %dma_wait3A_337] : memref<1000000x32xf32, #tpu.memory_space<hbm>> -> memref<50x32xf32, #tpu.memory_space<hbm>>
    tpu.wait_dma2 semaphore(%arg19 : memref<!tpu.dma_semaphore, #tpu.memory_space<semaphore_mem>>) src(%dma_wait3A_338 : memref<50x32xf32, #tpu.memory_space<hbm>>) dst(%arg11 : memref<50x32xf32, #tpu.memory_space<vmem>>)
    %add3A_339 = arith.constant 507 : i32
    %add3A_340 = arith.addi %mul3A_2, %add3A_339 : i32
    %dma_start3A_341 = arith.constant 0 : i32
    %dma_start3A_342 = arith.constant 0 : i32
    %dma_start3A_343 = tpu.memref_slice %arg6[%add3A_340, %dma_start3A_341, %dma_start3A_342] : memref<16384x50x32xf32, #tpu.memory_space<hbm>> -> memref<1x50x32xf32, #tpu.memory_space<hbm>>
    %dma_start3A_344 = tpu.memref_squeeze %dma_start3A_343 : memref<1x50x32xf32, #tpu.memory_space<hbm>> -> memref<50x32xf32, #tpu.memory_space<hbm>>
    %dma_start3A_345 = arith.constant 0 : i32
    %dma_start3A_346 = arith.constant 0 : i32
    %dma_start3A_347 = tpu.memref_slice %arg6[%add3A_340, %dma_start3A_345, %dma_start3A_346] : memref<16384x50x32xf32, #tpu.memory_space<hbm>> -> memref<1x50x32xf32, #tpu.memory_space<hbm>>
    %dma_start3A_348 = tpu.memref_squeeze %dma_start3A_347 : memref<1x50x32xf32, #tpu.memory_space<hbm>> -> memref<50x32xf32, #tpu.memory_space<hbm>>
    tpu.enqueue_dma source(%arg11 : memref<50x32xf32, #tpu.memory_space<vmem>>) target(%dma_start3A_348 : memref<50x32xf32, #tpu.memory_space<hbm>>) target_semaphore(%arg27 : memref<!tpu.dma_semaphore, #tpu.memory_space<semaphore_mem>>)
    %dma_wait3A_349 = arith.constant 0 : i32
    %dma_wait3A_350 = arith.constant 0 : i32
    %dma_wait3A_351 = tpu.memref_slice %arg3[%dma_wait3A_349, %dma_wait3A_350] : memref<1000000x32xf32, #tpu.memory_space<hbm>> -> memref<50x32xf32, #tpu.memory_space<hbm>>
    %dma_wait3A_352 = arith.constant 0 : i32
    %dma_wait3A_353 = arith.constant 0 : i32
    %dma_wait3A_354 = tpu.memref_slice %arg3[%dma_wait3A_352, %dma_wait3A_353] : memref<1000000x32xf32, #tpu.memory_space<hbm>> -> memref<50x32xf32, #tpu.memory_space<hbm>>
    tpu.wait_dma2 semaphore(%arg20 : memref<!tpu.dma_semaphore, #tpu.memory_space<semaphore_mem>>) src(%dma_wait3A_354 : memref<50x32xf32, #tpu.memory_space<hbm>>) dst(%arg12 : memref<50x32xf32, #tpu.memory_space<vmem>>)
    %add3A_355 = arith.constant 508 : i32
    %add3A_356 = arith.addi %mul3A_2, %add3A_355 : i32
    %dma_start3A_357 = arith.constant 0 : i32
    %dma_start3A_358 = arith.constant 0 : i32
    %dma_start3A_359 = tpu.memref_slice %arg6[%add3A_356, %dma_start3A_357, %dma_start3A_358] : memref<16384x50x32xf32, #tpu.memory_space<hbm>> -> memref<1x50x32xf32, #tpu.memory_space<hbm>>
    %dma_start3A_360 = tpu.memref_squeeze %dma_start3A_359 : memref<1x50x32xf32, #tpu.memory_space<hbm>> -> memref<50x32xf32, #tpu.memory_space<hbm>>
    %dma_start3A_361 = arith.constant 0 : i32
    %dma_start3A_362 = arith.constant 0 : i32
    %dma_start3A_363 = tpu.memref_slice %arg6[%add3A_356, %dma_start3A_361, %dma_start3A_362] : memref<16384x50x32xf32, #tpu.memory_space<hbm>> -> memref<1x50x32xf32, #tpu.memory_space<hbm>>
    %dma_start3A_364 = tpu.memref_squeeze %dma_start3A_363 : memref<1x50x32xf32, #tpu.memory_space<hbm>> -> memref<50x32xf32, #tpu.memory_space<hbm>>
    tpu.enqueue_dma source(%arg12 : memref<50x32xf32, #tpu.memory_space<vmem>>) target(%dma_start3A_364 : memref<50x32xf32, #tpu.memory_space<hbm>>) target_semaphore(%arg28 : memref<!tpu.dma_semaphore, #tpu.memory_space<semaphore_mem>>)
    %dma_wait3A_365 = arith.constant 0 : i32
    %dma_wait3A_366 = arith.constant 0 : i32
    %dma_wait3A_367 = tpu.memref_slice %arg3[%dma_wait3A_365, %dma_wait3A_366] : memref<1000000x32xf32, #tpu.memory_space<hbm>> -> memref<50x32xf32, #tpu.memory_space<hbm>>
    %dma_wait3A_368 = arith.constant 0 : i32
    %dma_wait3A_369 = arith.constant 0 : i32
    %dma_wait3A_370 = tpu.memref_slice %arg3[%dma_wait3A_368, %dma_wait3A_369] : memref<1000000x32xf32, #tpu.memory_space<hbm>> -> memref<50x32xf32, #tpu.memory_space<hbm>>
    tpu.wait_dma2 semaphore(%arg21 : memref<!tpu.dma_semaphore, #tpu.memory_space<semaphore_mem>>) src(%dma_wait3A_370 : memref<50x32xf32, #tpu.memory_space<hbm>>) dst(%arg13 : memref<50x32xf32, #tpu.memory_space<vmem>>)
    %add3A_371 = arith.constant 509 : i32
    %add3A_372 = arith.addi %mul3A_2, %add3A_371 : i32
    %dma_start3A_373 = arith.constant 0 : i32
    %dma_start3A_374 = arith.constant 0 : i32
    %dma_start3A_375 = tpu.memref_slice %arg6[%add3A_372, %dma_start3A_373, %dma_start3A_374] : memref<16384x50x32xf32, #tpu.memory_space<hbm>> -> memref<1x50x32xf32, #tpu.memory_space<hbm>>
    %dma_start3A_376 = tpu.memref_squeeze %dma_start3A_375 : memref<1x50x32xf32, #tpu.memory_space<hbm>> -> memref<50x32xf32, #tpu.memory_space<hbm>>
    %dma_start3A_377 = arith.constant 0 : i32
    %dma_start3A_378 = arith.constant 0 : i32
    %dma_start3A_379 = tpu.memref_slice %arg6[%add3A_372, %dma_start3A_377, %dma_start3A_378] : memref<16384x50x32xf32, #tpu.memory_space<hbm>> -> memref<1x50x32xf32, #tpu.memory_space<hbm>>
    %dma_start3A_380 = tpu.memref_squeeze %dma_start3A_379 : memref<1x50x32xf32, #tpu.memory_space<hbm>> -> memref<50x32xf32, #tpu.memory_space<hbm>>
    tpu.enqueue_dma source(%arg13 : memref<50x32xf32, #tpu.memory_space<vmem>>) target(%dma_start3A_380 : memref<50x32xf32, #tpu.memory_space<hbm>>) target_semaphore(%arg29 : memref<!tpu.dma_semaphore, #tpu.memory_space<semaphore_mem>>)
    %dma_wait3A_381 = arith.constant 0 : i32
    %dma_wait3A_382 = arith.constant 0 : i32
    %dma_wait3A_383 = tpu.memref_slice %arg3[%dma_wait3A_381, %dma_wait3A_382] : memref<1000000x32xf32, #tpu.memory_space<hbm>> -> memref<50x32xf32, #tpu.memory_space<hbm>>
    %dma_wait3A_384 = arith.constant 0 : i32
    %dma_wait3A_385 = arith.constant 0 : i32
    %dma_wait3A_386 = tpu.memref_slice %arg3[%dma_wait3A_384, %dma_wait3A_385] : memref<1000000x32xf32, #tpu.memory_space<hbm>> -> memref<50x32xf32, #tpu.memory_space<hbm>>
    tpu.wait_dma2 semaphore(%arg22 : memref<!tpu.dma_semaphore, #tpu.memory_space<semaphore_mem>>) src(%dma_wait3A_386 : memref<50x32xf32, #tpu.memory_space<hbm>>) dst(%arg14 : memref<50x32xf32, #tpu.memory_space<vmem>>)
    %add3A_387 = arith.constant 510 : i32
    %add3A_388 = arith.addi %mul3A_2, %add3A_387 : i32
    %dma_start3A_389 = arith.constant 0 : i32
    %dma_start3A_390 = arith.constant 0 : i32
    %dma_start3A_391 = tpu.memref_slice %arg6[%add3A_388, %dma_start3A_389, %dma_start3A_390] : memref<16384x50x32xf32, #tpu.memory_space<hbm>> -> memref<1x50x32xf32, #tpu.memory_space<hbm>>
    %dma_start3A_392 = tpu.memref_squeeze %dma_start3A_391 : memref<1x50x32xf32, #tpu.memory_space<hbm>> -> memref<50x32xf32, #tpu.memory_space<hbm>>
    %dma_start3A_393 = arith.constant 0 : i32
    %dma_start3A_394 = arith.constant 0 : i32
    %dma_start3A_395 = tpu.memref_slice %arg6[%add3A_388, %dma_start3A_393, %dma_start3A_394] : memref<16384x50x32xf32, #tpu.memory_space<hbm>> -> memref<1x50x32xf32, #tpu.memory_space<hbm>>
    %dma_start3A_396 = tpu.memref_squeeze %dma_start3A_395 : memref<1x50x32xf32, #tpu.memory_space<hbm>> -> memref<50x32xf32, #tpu.memory_space<hbm>>
    tpu.enqueue_dma source(%arg14 : memref<50x32xf32, #tpu.memory_space<vmem>>) target(%dma_start3A_396 : memref<50x32xf32, #tpu.memory_space<hbm>>) target_semaphore(%arg30 : memref<!tpu.dma_semaphore, #tpu.memory_space<semaphore_mem>>)
    %dma_wait3A_397 = arith.constant 0 : i32
    %dma_wait3A_398 = arith.constant 0 : i32
    %dma_wait3A_399 = tpu.memref_slice %arg3[%dma_wait3A_397, %dma_wait3A_398] : memref<1000000x32xf32, #tpu.memory_space<hbm>> -> memref<50x32xf32, #tpu.memory_space<hbm>>
    %dma_wait3A_400 = arith.constant 0 : i32
    %dma_wait3A_401 = arith.constant 0 : i32
    %dma_wait3A_402 = tpu.memref_slice %arg3[%dma_wait3A_400, %dma_wait3A_401] : memref<1000000x32xf32, #tpu.memory_space<hbm>> -> memref<50x32xf32, #tpu.memory_space<hbm>>
    tpu.wait_dma2 semaphore(%arg23 : memref<!tpu.dma_semaphore, #tpu.memory_space<semaphore_mem>>) src(%dma_wait3A_402 : memref<50x32xf32, #tpu.memory_space<hbm>>) dst(%arg15 : memref<50x32xf32, #tpu.memory_space<vmem>>)
    %add3A_403 = arith.constant 511 : i32
    %add3A_404 = arith.addi %mul3A_2, %add3A_403 : i32
    %dma_start3A_405 = arith.constant 0 : i32
    %dma_start3A_406 = arith.constant 0 : i32
    %dma_start3A_407 = tpu.memref_slice %arg6[%add3A_404, %dma_start3A_405, %dma_start3A_406] : memref<16384x50x32xf32, #tpu.memory_space<hbm>> -> memref<1x50x32xf32, #tpu.memory_space<hbm>>
    %dma_start3A_408 = tpu.memref_squeeze %dma_start3A_407 : memref<1x50x32xf32, #tpu.memory_space<hbm>> -> memref<50x32xf32, #tpu.memory_space<hbm>>
    %dma_start3A_409 = arith.constant 0 : i32
    %dma_start3A_410 = arith.constant 0 : i32
    %dma_start3A_411 = tpu.memref_slice %arg6[%add3A_404, %dma_start3A_409, %dma_start3A_410] : memref<16384x50x32xf32, #tpu.memory_space<hbm>> -> memref<1x50x32xf32, #tpu.memory_space<hbm>>
    %dma_start3A_412 = tpu.memref_squeeze %dma_start3A_411 : memref<1x50x32xf32, #tpu.memory_space<hbm>> -> memref<50x32xf32, #tpu.memory_space<hbm>>
    tpu.enqueue_dma source(%arg15 : memref<50x32xf32, #tpu.memory_space<vmem>>) target(%dma_start3A_412 : memref<50x32xf32, #tpu.memory_space<hbm>>) target_semaphore(%arg31 : memref<!tpu.dma_semaphore, #tpu.memory_space<semaphore_mem>>)
    %dma_wait3A_413 = arith.constant 0 : i32
    %dma_wait3A_414 = arith.constant 0 : i32
    %dma_wait3A_415 = tpu.memref_slice %arg6[%add3A_292, %dma_wait3A_413, %dma_wait3A_414] : memref<16384x50x32xf32, #tpu.memory_space<hbm>> -> memref<1x50x32xf32, #tpu.memory_space<hbm>>
    %dma_wait3A_416 = tpu.memref_squeeze %dma_wait3A_415 : memref<1x50x32xf32, #tpu.memory_space<hbm>> -> memref<50x32xf32, #tpu.memory_space<hbm>>
    %dma_wait3A_417 = arith.constant 0 : i32
    %dma_wait3A_418 = arith.constant 0 : i32
    %dma_wait3A_419 = tpu.memref_slice %arg6[%add3A_292, %dma_wait3A_417, %dma_wait3A_418] : memref<16384x50x32xf32, #tpu.memory_space<hbm>> -> memref<1x50x32xf32, #tpu.memory_space<hbm>>
    %dma_wait3A_420 = tpu.memref_squeeze %dma_wait3A_419 : memref<1x50x32xf32, #tpu.memory_space<hbm>> -> memref<50x32xf32, #tpu.memory_space<hbm>>
    tpu.wait_dma2 semaphore(%arg24 : memref<!tpu.dma_semaphore, #tpu.memory_space<semaphore_mem>>) src(%arg8 : memref<50x32xf32, #tpu.memory_space<vmem>>) dst(%dma_wait3A_420 : memref<50x32xf32, #tpu.memory_space<hbm>>)
    %dma_wait3A_421 = arith.constant 0 : i32
    %dma_wait3A_422 = arith.constant 0 : i32
    %dma_wait3A_423 = tpu.memref_slice %arg6[%add3A_308, %dma_wait3A_421, %dma_wait3A_422] : memref<16384x50x32xf32, #tpu.memory_space<hbm>> -> memref<1x50x32xf32, #tpu.memory_space<hbm>>
    %dma_wait3A_424 = tpu.memref_squeeze %dma_wait3A_423 : memref<1x50x32xf32, #tpu.memory_space<hbm>> -> memref<50x32xf32, #tpu.memory_space<hbm>>
    %dma_wait3A_425 = arith.constant 0 : i32
    %dma_wait3A_426 = arith.constant 0 : i32
    %dma_wait3A_427 = tpu.memref_slice %arg6[%add3A_308, %dma_wait3A_425, %dma_wait3A_426] : memref<16384x50x32xf32, #tpu.memory_space<hbm>> -> memref<1x50x32xf32, #tpu.memory_space<hbm>>
    %dma_wait3A_428 = tpu.memref_squeeze %dma_wait3A_427 : memref<1x50x32xf32, #tpu.memory_space<hbm>> -> memref<50x32xf32, #tpu.memory_space<hbm>>
    tpu.wait_dma2 semaphore(%arg25 : memref<!tpu.dma_semaphore, #tpu.memory_space<semaphore_mem>>) src(%arg9 : memref<50x32xf32, #tpu.memory_space<vmem>>) dst(%dma_wait3A_428 : memref<50x32xf32, #tpu.memory_space<hbm>>)
    %dma_wait3A_429 = arith.constant 0 : i32
    %dma_wait3A_430 = arith.constant 0 : i32
    %dma_wait3A_431 = tpu.memref_slice %arg6[%add3A_324, %dma_wait3A_429, %dma_wait3A_430] : memref<16384x50x32xf32, #tpu.memory_space<hbm>> -> memref<1x50x32xf32, #tpu.memory_space<hbm>>
    %dma_wait3A_432 = tpu.memref_squeeze %dma_wait3A_431 : memref<1x50x32xf32, #tpu.memory_space<hbm>> -> memref<50x32xf32, #tpu.memory_space<hbm>>
    %dma_wait3A_433 = arith.constant 0 : i32
    %dma_wait3A_434 = arith.constant 0 : i32
    %dma_wait3A_435 = tpu.memref_slice %arg6[%add3A_324, %dma_wait3A_433, %dma_wait3A_434] : memref<16384x50x32xf32, #tpu.memory_space<hbm>> -> memref<1x50x32xf32, #tpu.memory_space<hbm>>
    %dma_wait3A_436 = tpu.memref_squeeze %dma_wait3A_435 : memref<1x50x32xf32, #tpu.memory_space<hbm>> -> memref<50x32xf32, #tpu.memory_space<hbm>>
    tpu.wait_dma2 semaphore(%arg26 : memref<!tpu.dma_semaphore, #tpu.memory_space<semaphore_mem>>) src(%arg10 : memref<50x32xf32, #tpu.memory_space<vmem>>) dst(%dma_wait3A_436 : memref<50x32xf32, #tpu.memory_space<hbm>>)
    %dma_wait3A_437 = arith.constant 0 : i32
    %dma_wait3A_438 = arith.constant 0 : i32
    %dma_wait3A_439 = tpu.memref_slice %arg6[%add3A_340, %dma_wait3A_437, %dma_wait3A_438] : memref<16384x50x32xf32, #tpu.memory_space<hbm>> -> memref<1x50x32xf32, #tpu.memory_space<hbm>>
    %dma_wait3A_440 = tpu.memref_squeeze %dma_wait3A_439 : memref<1x50x32xf32, #tpu.memory_space<hbm>> -> memref<50x32xf32, #tpu.memory_space<hbm>>
    %dma_wait3A_441 = arith.constant 0 : i32
    %dma_wait3A_442 = arith.constant 0 : i32
    %dma_wait3A_443 = tpu.memref_slice %arg6[%add3A_340, %dma_wait3A_441, %dma_wait3A_442] : memref<16384x50x32xf32, #tpu.memory_space<hbm>> -> memref<1x50x32xf32, #tpu.memory_space<hbm>>
    %dma_wait3A_444 = tpu.memref_squeeze %dma_wait3A_443 : memref<1x50x32xf32, #tpu.memory_space<hbm>> -> memref<50x32xf32, #tpu.memory_space<hbm>>
    tpu.wait_dma2 semaphore(%arg27 : memref<!tpu.dma_semaphore, #tpu.memory_space<semaphore_mem>>) src(%arg11 : memref<50x32xf32, #tpu.memory_space<vmem>>) dst(%dma_wait3A_444 : memref<50x32xf32, #tpu.memory_space<hbm>>)
    %dma_wait3A_445 = arith.constant 0 : i32
    %dma_wait3A_446 = arith.constant 0 : i32
    %dma_wait3A_447 = tpu.memref_slice %arg6[%add3A_356, %dma_wait3A_445, %dma_wait3A_446] : memref<16384x50x32xf32, #tpu.memory_space<hbm>> -> memref<1x50x32xf32, #tpu.memory_space<hbm>>
    %dma_wait3A_448 = tpu.memref_squeeze %dma_wait3A_447 : memref<1x50x32xf32, #tpu.memory_space<hbm>> -> memref<50x32xf32, #tpu.memory_space<hbm>>
    %dma_wait3A_449 = arith.constant 0 : i32
    %dma_wait3A_450 = arith.constant 0 : i32
    %dma_wait3A_451 = tpu.memref_slice %arg6[%add3A_356, %dma_wait3A_449, %dma_wait3A_450] : memref<16384x50x32xf32, #tpu.memory_space<hbm>> -> memref<1x50x32xf32, #tpu.memory_space<hbm>>
    %dma_wait3A_452 = tpu.memref_squeeze %dma_wait3A_451 : memref<1x50x32xf32, #tpu.memory_space<hbm>> -> memref<50x32xf32, #tpu.memory_space<hbm>>
    tpu.wait_dma2 semaphore(%arg28 : memref<!tpu.dma_semaphore, #tpu.memory_space<semaphore_mem>>) src(%arg12 : memref<50x32xf32, #tpu.memory_space<vmem>>) dst(%dma_wait3A_452 : memref<50x32xf32, #tpu.memory_space<hbm>>)
    %dma_wait3A_453 = arith.constant 0 : i32
    %dma_wait3A_454 = arith.constant 0 : i32
    %dma_wait3A_455 = tpu.memref_slice %arg6[%add3A_372, %dma_wait3A_453, %dma_wait3A_454] : memref<16384x50x32xf32, #tpu.memory_space<hbm>> -> memref<1x50x32xf32, #tpu.memory_space<hbm>>
    %dma_wait3A_456 = tpu.memref_squeeze %dma_wait3A_455 : memref<1x50x32xf32, #tpu.memory_space<hbm>> -> memref<50x32xf32, #tpu.memory_space<hbm>>
    %dma_wait3A_457 = arith.constant 0 : i32
    %dma_wait3A_458 = arith.constant 0 : i32
    %dma_wait3A_459 = tpu.memref_slice %arg6[%add3A_372, %dma_wait3A_457, %dma_wait3A_458] : memref<16384x50x32xf32, #tpu.memory_space<hbm>> -> memref<1x50x32xf32, #tpu.memory_space<hbm>>
    %dma_wait3A_460 = tpu.memref_squeeze %dma_wait3A_459 : memref<1x50x32xf32, #tpu.memory_space<hbm>> -> memref<50x32xf32, #tpu.memory_space<hbm>>
    tpu.wait_dma2 semaphore(%arg29 : memref<!tpu.dma_semaphore, #tpu.memory_space<semaphore_mem>>) src(%arg13 : memref<50x32xf32, #tpu.memory_space<vmem>>) dst(%dma_wait3A_460 : memref<50x32xf32, #tpu.memory_space<hbm>>)
    %dma_wait3A_461 = arith.constant 0 : i32
    %dma_wait3A_462 = arith.constant 0 : i32
    %dma_wait3A_463 = tpu.memref_slice %arg6[%add3A_388, %dma_wait3A_461, %dma_wait3A_462] : memref<16384x50x32xf32, #tpu.memory_space<hbm>> -> memref<1x50x32xf32, #tpu.memory_space<hbm>>
    %dma_wait3A_464 = tpu.memref_squeeze %dma_wait3A_463 : memref<1x50x32xf32, #tpu.memory_space<hbm>> -> memref<50x32xf32, #tpu.memory_space<hbm>>
    %dma_wait3A_465 = arith.constant 0 : i32
    %dma_wait3A_466 = arith.constant 0 : i32
    %dma_wait3A_467 = tpu.memref_slice %arg6[%add3A_388, %dma_wait3A_465, %dma_wait3A_466] : memref<16384x50x32xf32, #tpu.memory_space<hbm>> -> memref<1x50x32xf32, #tpu.memory_space<hbm>>
    %dma_wait3A_468 = tpu.memref_squeeze %dma_wait3A_467 : memref<1x50x32xf32, #tpu.memory_space<hbm>> -> memref<50x32xf32, #tpu.memory_space<hbm>>
    tpu.wait_dma2 semaphore(%arg30 : memref<!tpu.dma_semaphore, #tpu.memory_space<semaphore_mem>>) src(%arg14 : memref<50x32xf32, #tpu.memory_space<vmem>>) dst(%dma_wait3A_468 : memref<50x32xf32, #tpu.memory_space<hbm>>)
    %dma_wait3A_469 = arith.constant 0 : i32
    %dma_wait3A_470 = arith.constant 0 : i32
    %dma_wait3A_471 = tpu.memref_slice %arg6[%add3A_404, %dma_wait3A_469, %dma_wait3A_470] : memref<16384x50x32xf32, #tpu.memory_space<hbm>> -> memref<1x50x32xf32, #tpu.memory_space<hbm>>
    %dma_wait3A_472 = tpu.memref_squeeze %dma_wait3A_471 : memref<1x50x32xf32, #tpu.memory_space<hbm>> -> memref<50x32xf32, #tpu.memory_space<hbm>>
    %dma_wait3A_473 = arith.constant 0 : i32
    %dma_wait3A_474 = arith.constant 0 : i32
    %dma_wait3A_475 = tpu.memref_slice %arg6[%add3A_404, %dma_wait3A_473, %dma_wait3A_474] : memref<16384x50x32xf32, #tpu.memory_space<hbm>> -> memref<1x50x32xf32, #tpu.memory_space<hbm>>
    %dma_wait3A_476 = tpu.memref_squeeze %dma_wait3A_475 : memref<1x50x32xf32, #tpu.memory_space<hbm>> -> memref<50x32xf32, #tpu.memory_space<hbm>>
    tpu.wait_dma2 semaphore(%arg31 : memref<!tpu.dma_semaphore, #tpu.memory_space<semaphore_mem>>) src(%arg15 : memref<50x32xf32, #tpu.memory_space<vmem>>) dst(%dma_wait3A_476 : memref<50x32xf32, #tpu.memory_space<hbm>>)
    return
  }
}

</mosaic_0001>

<sc_bundles>
// kernel: kernel.3.cloned.1.call-start
scs
__scs_entry_jumppad:
0x0: {  	(pc) =	sbr.rel $0x88, $3  }
0x1: {  	(tag) =	ssettag $0x0;
	lr =	simm.s32 $0x1  }
0x2: {  	[smem:$0x3F9D] =	sst lr;
	_ =	strace $0xD0000000  }
0x3: {  	_ = 	snop  }
0x4: {  	_ = 	snop  }
0x5: {  	_ = 	snop  }
0x6: {  	_ = 	snop  }
0x7: {  	_ = 	snop  }
__scs_overlays_trampoline_lowered:
0x8: {  	[smem:$0x3FAC] =	sst s0  }
0x9: {  	[smem:$0x3FAD] =	sst s1  }
0xa: {  	[smem:$0x3FAE] =	sst s2  }
0xb: {  	[smem:$0x3FAF] =	sst s3  }
0xc: {  	[smem:$0x3FB0] =	sst s4  }
0xd: {  	[smem:$0x3FB1] =	sst s5  }
0xe: {  	[smem:$0x3FB2] =	sst s6  }
0xf: {  	[smem:$0x3FB3] =	sst s7  }
0x10: {  	[smem:$0x3FB4] =	sst s8  }
0x11: {  	[smem:$0x3FB5] =	sst s9;
	s0 =	simm.s32 @!p0 $0x0  }
0x12: {  	s1 =	sld [smem:$0x3F9B];
	s0 =	simm.s32 @p0 $0x1  }
0x13: {  	[smem:$0x3FB6] =	sst s0;
	s0 =	simm.s32 @!p1 $0x0  }
0x14: {  	s2 =	sld [smem:$0x3F9A];
	s0 =	simm.s32 @p1 $0x1  }
0x15: {  	[smem:$0x3FB7] =	sst s0;
	s0 =	simm.s32 @!p2 $0x0  }
0x16: {  	s3 =	sld [smem:$0x3FDB];
	s0 =	simm.s32 @p2 $0x1  }
0x17: {  	s4 =	simm.s32 $0x1BF5;
	[smem:$0x3FB9] =	sst s0  }
0x18: {  	s0 =	sld [smem:$0x3F9C];
	_ =	swait.ge [sflag:s4], $0x0  }
0x19: {  	s7 =	sld [smem:$0x3F9D]  }
0x1a: {  	s8 =	sadd.s32 $0xFFFFE003, lr  }
0x1b: {  	s9 =	sadd.s32 $0xFFFFFEF7, lr;
	s5 =	simm.s32 $0xFFFFFFFF;
	p2 =	slt.u32 s8, $0xFFFFF086  }
0x1c: {  	p1 =	slt.u32 s9, $0xF7A;
	s5 =	simm.s32 @!p2 $0x0  }
0x1d: {  	s5 =	simm.s32 @p1 $0x1;
	p0 =	seq.s32 s7, s2  }
0x1e: {  	s7 =	smul.u32 @!p0 $0xF7A, s2;
	p2 =	seq.s32 @!p0 s5, $0x0  }
0x1f: {  	s9 =	smul.u32 $0xF7A, s1;
	s8 =	simm.s32 @!p0 $0x1BF5;
	p2 =	por !p2, p0  }
0x20: {  	[sflag:s8] =	ssyncset.s32 @!p0 $0xFFFFF086;
	s6 =	sadd.s32 @!p0 s3, s7;
	s7 =	simm.s32 @!p0 $0x108  }
0x21: {  	s3 =	sadd.s32 s3, s9;
	s6 =	sadd.s32 @!p0 $0x88, s6;
	s7 =	simm.s32 @p2 $0x1082  }
0x22: {  	[simem:s7], [sflag:s8] =	dma.local @!p0 [hbm:s6], $0xF7A  }
0x23: {  	s9 =	sor.u32 $0xD0000000, s2;
	s6 =	simm.s32 $0x108;
	_ =	swait.ge @!p0 [sflag:s8], $0x0  }
0x24: {  	s3 =	sadd.s32 $0x88, s3;
	s6 =	simm.s32 @!p1 $0x1082;
	[sflag:s4] =	ssyncset.s32 $0xFFFFF086  }
0x25: {  	[simem:s6], [sflag:s4] =	dma.local [hbm:s3], $0xF7A  }
0x26: {  	[smem:$0x3F9D] =	sst s1;
	(tag) =	ssettag s2;
	_ =	strace s9  }
0x27: {  	s1 =	sld [smem:$0x3FAD]  }
0x28: {  	s2 =	sld [smem:$0x3FAE]  }
0x29: {  	s4 =	sld [smem:$0x3FB0]  }
0x2a: {  	p0 =	seq.s32 s5, $0x0;
	s5 =	sld [smem:$0x3FB1]  }
0x2b: {  	s6 =	sld [smem:$0x3FB2]  }
0x2c: {  	s7 =	sld [smem:$0x3FB3]  }
0x2d: {  	s3 =	simm.s32 $0x108;
	s8 =	sld [smem:$0x3FB4]  }
0x2e: {  	s3 =	simm.s32 @!p0 $0x1082;
	s9 =	sld [smem:$0x3FB5]  }
0x2f: {  	lr =	sadd.s32 s0, s3;
	s0 =	sld [smem:$0x3FAC]  }
0x30: {  	s3 =	sld [smem:$0x3FAF]  }
0x31: {  	[smem:$0x3FB8] =	sst s10  }
0x32: {  	s10 =	sld [smem:$0x3FB6];
	_ =	sdelay $0x3  }
0x33: {  	p0 =	seq.s32 s10, $0x1;
	s10 =	sld [smem:$0x3FB8];
	_ =	sdelay $0x3  }
0x34: {  	[smem:$0x3FB8] =	sst s10  }
0x35: {  	s10 =	sld [smem:$0x3FB7];
	_ =	sdelay $0x3  }
0x36: {  	p1 =	seq.s32 s10, $0x1;
	s10 =	sld [smem:$0x3FB8];
	_ =	sdelay $0x3  }
0x37: {  	[smem:$0x3FB8] =	sst s10  }
0x38: {  	s10 =	sld [smem:$0x3FB9]  }
0x39: {  	_ = 	snop;
	(pc) =	sbr.ind lr, $3  }
0x3a: {  	_ = 	snop  }
0x3b: {  	_ = 	snop  }
0x3c: {  	p2 =	seq.s32 s10, $0x1;
	s10 =	sld [smem:$0x3FB8]  }
0x3d: {  	_ =	shalt  }
0x3e: {  	_ =	shalt  }
0x3f: {  	_ =	shalt  }
0x40: {  	_ =	shalt  }
0x41: {  	_ =	shalt  }
0x42: {  	_ =	shalt  }
0x43: {  	_ =	shalt  }
0x44: {  	_ =	shalt  }
0x45: {  	_ =	shalt  }
0x46: {  	_ =	shalt  }
0x47: {  	_ =	shalt  }
0x48: {  	_ =	shalt  }
0x49: {  	_ =	shalt  }
0x4a: {  	_ =	shalt  }
0x4b: {  	_ =	shalt  }
0x4c: {  	_ =	shalt  }
0x4d: {  	_ =	shalt  }
0x4e: {  	_ =	shalt  }
0x4f: {  	_ =	shalt  }
0x50: {  	_ =	shalt  }
0x51: {  	_ =	shalt  }
0x52: {  	_ =	shalt  }
0x53: {  	_ =	shalt  }
0x54: {  	_ =	shalt  }
0x55: {  	_ =	shalt  }
0x56: {  	_ =	shalt  }
0x57: {  	_ =	shalt  }
0x58: {  	_ =	shalt  }
0x59: {  	_ =	shalt  }
0x5a: {  	_ =	shalt  }
0x5b: {  	_ =	shalt  }
0x5c: {  	_ =	shalt  }
0x5d: {  	_ =	shalt  }
0x5e: {  	_ =	shalt  }
0x5f: {  	_ =	shalt  }
0x60: {  	_ =	shalt  }
0x61: {  	_ =	shalt  }
0x62: {  	_ =	shalt  }
0x63: {  	_ =	shalt  }
0x64: {  	_ =	shalt  }
0x65: {  	_ =	shalt  }
0x66: {  	_ =	shalt  }
0x67: {  	_ =	shalt  }
0x68: {  	_ =	shalt  }
0x69: {  	_ =	shalt  }
0x6a: {  	_ =	shalt  }
0x6b: {  	_ =	shalt  }
0x6c: {  	_ =	shalt  }
0x6d: {  	_ =	shalt  }
0x6e: {  	_ =	shalt  }
0x6f: {  	_ =	shalt  }
0x70: {  	_ =	shalt  }
0x71: {  	_ =	shalt  }
0x72: {  	_ =	shalt  }
0x73: {  	_ =	shalt  }
0x74: {  	_ =	shalt  }
0x75: {  	_ =	shalt  }
0x76: {  	_ =	shalt  }
0x77: {  	_ =	shalt  }
0x78: {  	_ =	shalt  }
0x79: {  	_ =	shalt  }
0x7a: {  	_ =	shalt  }
0x7b: {  	_ =	shalt  }
0x7c: {  	_ =	shalt  }
0x7d: {  	_ =	shalt  }
0x7e: {  	_ =	shalt  }
0x7f: {  	_ =	shalt  }
0x80: {  	_ =	shalt  }
0x81: {  	_ =	shalt  }
0x82: {  	_ =	shalt  }
0x83: {  	_ =	shalt  }
0x84: {  	_ =	shalt  }
0x85: {  	_ =	shalt  }
0x86: {  	_ =	shalt  }
0x87: {  	_ =	shalt  }
.Lfunc_end0:
.L_simem_size_0:
called_computation.1_lowered:
.L_overlay_start_0:
0x88: {  	s2 =	sld [smem:$0x3FD9]  }
0x89: {  	s3 =	sld [smem:$0x3FFE];
	_ =	sdelay $0x1  }
0x8a: {  	s1 =	srdreg.scid  }
0x8b: {  	s0 =	sand.u32 $0x1, s1  }
0x8c: {  	s17 =	sshll.u32 s0, $0xA;
	s2 =	sadd.s32 s3, s2  }
0x8d: {  	s2 =	sadd.s32 s2, s17  }
0x8e: {  	[smem:$0x3FC4] =	sst s2  }
0x8f: {  	_ = 	snop  }
0x90: {  	s2 =	sld [smem:$0x3FD0];
	(tm) =	ssettm $0x1  }
0x91: {  	s18 =	sld [smem:$0x3FFB];
	_ =	sdelay $0x3  }
0x92: {  	_ =	strace s18  }
0x93: {  	s3 =	sld [smem:$0x3FFC];
	_ =	sdelay $0x3  }
0x94: {  	_ =	strace s3  }
0x95: {  	s3 =	sld [smem:$0x3FFD];
	_ =	sdelay $0x3  }
0x96: {  	_ =	strace s3  }
0x97: {  	_ =	strace $0x8FFFFFFF  }
0x98: {  	s19 =	sld [smem:$0x3FDB];
	_ =	sdelay $0x1  }
0x99: {  	s4 =	simm.s32 $_scs_section_size  }
0x9a: {  	s5 =	simm.s32 $_size__tile_overlayer_lowered;
	s6 =	simm.s32 $_tile_overlayer_lowered  }
0x9b: {  	s22 =	simm.s32 $0x1BFF;
	s21 =	sshll.u32 s6, $0x1;
	s3 =	sadd.s32 s4, s19  }
0x9c: {  	s7 =	simm.s32 $0x0;
	s20 =	sshll.u32 s5, $0x1;
	s5 =	sadd.s32 s21, s3  }
0x9d: {  	[timem:s7], [sflag:s22] =	dma.local [hbm:s5], s20  }
0x9e: {  	_ =	swait.ge [sflag:s22], s20  }
0x9f: {  	s4 =	ssub.s32 $0x0, s20;
	[sflag:s22] =	ssyncset.done $0x0  }
0xa0: {  	[sflag:s22] =	ssyncadd.s32 s4;
	_ =	sdelay $0x1  }
0xa1: {  	s23 =	simm.s32 $0x1B8B  }
0xa2: {  	_ =	swait.ge [sflag:s23], $0x1  }
0xa3: {  	[sflag:s23] =	ssyncset.done $0x0  }
0xa4: {  	s25 =	simm.s32 $0x1B8E;
	s24 =	sld [smem:$0x3FFE];
	[sflag:s23] =	ssyncadd.s32 $0xFFFFFFFF  }
0xa5: {  	s26 =	simm.s32 $execute0_lowered;
	[smem:$0x3FD2] =	sst s25  }
0xa6: {  	s5 =	sshll.u32 s26, $0x1;
	_ =	strace $0x80000046;
	[dreg:$0x1] =	wrdreg $0xFFFFFFFF  }
0xa7: {  	s28 =	simm.s32 $_size_execute0_lowered;
	s3 =	sadd.s32 s3, s5;
	[dreg:$0x0] =	wrdreg $0x0  }
0xa8: {  	s5 =	sshll.u32 s28, $0x1;
	[dreg:$0x2] =	wrdreg s3  }
0xa9: {  	[dreg:$0x3] =	wrdreg s5  }
0xaa: {  	[dreg:$0x4] =	wrdreg $0xC0  }
0xab: {  	_ =	task [dreg:s7], $0x5FFFF  }
0xac: {  	[dreg:$0x1] =	wrdreg $0xFFFFFFFF  }
0xad: {  	[dreg:$0x0] =	wrdreg $0x60  }
0xae: {  	[dreg:$0x2] =	wrdreg s24  }
0xaf: {  	[dreg:$0x3] =	wrdreg s2  }
0xb0: {  	[dreg:$0x4] =	wrdreg $0x9  }
0xb1: {  	_ =	task.clear_ibuf [dreg:s7], $0x5FFFF;
	_ =	strace $0x90000046  }
0xb2: {  	s29 =	simm.s32 $0x9;
	_ =	strace $0x80000048  }
0xb3: {  	_ =	swait.ge [sflag:s29], $0x1  }
0xb4: {  	[sflag:s29] =	ssyncadd.s32 $0xFFFFFFFF  }
0xb5: {  	_ =	strace $0x90000048  }
0xb6: {  	_ =	sfence  }
0xb7: {  	s30 =	sld [smem:$0x0];
	_ =	sdelay $0x2  }
0xb8: {  	s31 =	sshll.u32 s1, $0xD;
	s1 =	sshrl.u32 s1, $0x2  }
0xb9: {  	s3 =	sand.u32 $0x4000, s31;
	s1 =	sadd.s32 s1, s30  }
0xba: {  	s0 =	sor.u32 s3, s0;
	s1 =	sshll.u32 s1, $0x11  }
0xbb: {  	s0 =	sor.u32 s1, s0  }
0xbc: {  	s0 =	sadd.s32 $0x8F2B, s0  }
0xbd: {  	[sflag:s0] =	ssyncadd.remote.s32 $0x1  }
0xbe: {  	_ =	sfence.sel $0xFFFF  }
0xbf: {  	[dreg:$0x0] =	wrdreg $0xFFFFFFFF;
	(pc) =	sbr.abs _section_cstart, $3  }
0xc0: {  	[dreg:$0x1] =	wrdreg $0xFFFFFFFF  }
0xc1: {  	_ =	task.clear_ibuf [dreg:s7], $0x2FFFF;
	_ =	strace $0x9FFFFFFF  }
0xc2: {  	(tm) =	ssettm $0x7FFFFFFF  }
0xc3: {  	_ =	shalt  }
tec
execute0_lowered:
.L_overlay_start_1:
0x0: {  	(tag) =	ssettag $0x1  }
0x1: {  	s0 =	srdreg.scid;
	s1 =	rddreg [dreg:$0x0]  }
0x2: {  	s10 =	stileid.u32;
	s11 =	rddreg [dreg:$0x1]  }
0x3: {  	s3 =	simm.s32 $0x0;
	s0 =	sand.u32 $0x1, s0;
	s9 =	smul.u32 $0x32000, s10  }
0x4: {  	s2 =	sshll.u32 s10, $0xA;
	[smem:$0x7FF] =	sst s3;
	s24 =	smul.u32 $0x190000, s10  }
0x5: {  	s5 =	sadd.s32 $0x1313800, s1;
	s4 =	sshll.u32 s0, $0x9;
	s22 =	smul.u32 $0x19000, s0  }
0x6: {  	s21 =	ssub.s32 $0x2, s0;
	s0 =	smul.u32 $0xC8000, s0;
	s2 =	sor.u32 s4, s2  }
0x7: {  	s6 =	sadd.s32 $0xF42E00, s1;
	_ =	strace $0x80000047;
	s4 =	smul.u32 $0x7, s2  }
0x8: {  	s8 =	sshrl.u32 s21, $0x1;
	s2 =	smul.u32 $0x640, s2;
	s0 =	sadd.s32 s0, s24  }
0x9: {  	s0 =	sshrl.u32 s0, $0x3;
	s7 =	sadd.s32 s4, s1;
	s4 =	sadd.s32 $0x16E4200, s1  }
0xa: {  	s1 =	ssub.s32 s21, s8;
	s8 =	sadd.s32 s22, s9;
	[dreg:$0x4] =	wrdreg s0  }
0xb: {  	s2 =	sshrl.u32 s2, $0x3;
	s7 =	sadd.s32 $0xA00, s7;
	[dreg:$0x3] =	wrdreg s8  }
0xc: {  	s2 =	sadd.s32 s11, s2;
	s1 =	smax.u32 s1, $0x1;
	[dreg:$0x5] =	wrdreg s7  }
0xd: {  	s18 =	simm.s32 $0x32;
	s23 =	sadd.s32 $0x189C0, s2;
	[dreg:$0xe] =	wrdreg s1  }
0xe: {  	s12 =	simm.s32 $0x5;
	s25 =	sadd.s32 $0x18A88, s2;
	[dreg:$0x6] =	wrdreg s23  }
0xf: {  	s13 =	simm.s32 $0x6;
	s26 =	sadd.s32 $0x18B50, s2;
	[dreg:$0x7] =	wrdreg s25  }
0x10: {  	s14 =	simm.s32 $0x7;
	s28 =	sadd.s32 $0x18C18, s2;
	[dreg:$0x8] =	wrdreg s26  }
0x11: {  	s15 =	simm.s32 $0x8;
	s29 =	sadd.s32 $0x18CE0, s2;
	[dreg:$0x9] =	wrdreg s28  }
0x12: {  	s10 =	simm.s32 $0x3;
	s30 =	sadd.s32 $0x18DA8, s2;
	[dreg:$0xa] =	wrdreg s29  }
0x13: {  	s9 =	simm.s32 $0x2;
	s31 =	sadd.s32 $0x18E70, s2;
	[dreg:$0xb] =	wrdreg s30  }
0x14: {  	s8 =	simm.s32 $0x1;
	s2 =	sadd.s32 $0x18F38, s2;
	[dreg:$0xc] =	wrdreg s31  }
0x15: {  	s11 =	simm.s32 $0x4;
	s1 =	simm.s32 $0x0;
	[dreg:$0xd] =	wrdreg s2  }
.LBB2_1:
0x16: {  	[dreg:$0xf] =	wrdreg s1  }
0x17: {  	s0 =	rddreg [dreg:$0x5];
	s7 =	simm.s32 $0x0;
	s28 =	simm.s32 $0x11  }
0x18: {  	[tilespmem:s7], [sflag:$0x11] =	stream.linear.gather [hbm4b:s0+s7], $0x7000, $0x38;
	[tilespmem:$0xA200] =	vst v63  }
0x19: {  	_ =	swait.ge [sflag:s28], $0x7000  }
0x1a: {  	[sflag:s28] =	ssyncset.done $0x0  }
0x1b: {  	s19 =	simm.s32 $0x7000;
	[sflag:s28] =	ssyncadd.s32 $0xFFFF9000  }
0x1c: {  	[tilespmem:s19], [sflag:$0x1] =	stream.indirect.gather [hbm4b:s4+s18], $0x20, s7, s18, $0xb8;
	[tilespmem:$0xA200] =	vst v63  }
0x1d: {  	s29 =	simm.s32 $0x38;
	s21 =	simm.s32 $0x7640  }
0x1e: {  	[tilespmem:s21], [sflag:$0x2] =	stream.indirect.gather [hbm4b:s4+s18], $0x20, s29, s18, $0xb8;
	[tilespmem:$0xA200] =	vst v63  }
0x1f: {  	s2 =	simm.s32 $0x70;
	s23 =	simm.s32 $0x7C80  }
0x20: {  	[tilespmem:s23], [sflag:$0x3] =	stream.indirect.gather [hbm4b:s4+s18], $0x20, s2, s18, $0xb8;
	[tilespmem:$0xA200] =	vst v63  }
0x21: {  	s16 =	simm.s32 $0xA8;
	s25 =	simm.s32 $0x82C0  }
0x22: {  	[tilespmem:s25], [sflag:$0x4] =	stream.indirect.gather [hbm4b:s4+s18], $0x20, s16, s18, $0xb8;
	[tilespmem:$0xA200] =	vst v63  }
0x23: {  	s17 =	simm.s32 $0xE0;
	s28 =	simm.s32 $0x8900  }
0x24: {  	[tilespmem:s28], [sflag:$0x5] =	stream.indirect.gather [hbm4b:s4+s18], $0x20, s17, s18, $0xb8;
	[tilespmem:$0xA200] =	vst v63  }
0x25: {  	s20 =	simm.s32 $0x118;
	s30 =	simm.s32 $0x8F40  }
0x26: {  	[tilespmem:s30], [sflag:$0x6] =	stream.indirect.gather [hbm4b:s4+s18], $0x20, s20, s18, $0xb8;
	[tilespmem:$0xA200] =	vst v63  }
0x27: {  	s22 =	simm.s32 $0x150;
	s1 =	simm.s32 $0x9580  }
0x28: {  	[tilespmem:s1], [sflag:$0x7] =	stream.indirect.gather [hbm4b:s4+s18], $0x20, s22, s18, $0xb8;
	[tilespmem:$0xA200] =	vst v63  }
0x29: {  	s24 =	simm.s32 $0x188;
	s3 =	simm.s32 $0x9BC0  }
0x2a: {  	[tilespmem:s3], [sflag:$0x8] =	stream.indirect.gather [hbm4b:s4+s18], $0x20, s24, s18, $0xb8;
	[tilespmem:$0xA200] =	vst v63  }
0x2b: {  	_ =	swait.ge [sflag:s8], $0x640  }
0x2c: {  	[sflag:s8] =	ssyncset.done $0x0  }
0x2d: {  	[sflag:s8] =	ssyncadd.s32 $0xFFFFF9C0  }
0x2e: {  	[tilespmem:s19], [sflag:$0x1] =	stream.indirect.gather.add.f32 [hbm:s5], $0x20, s7, s18, $0xb8;
	[tilespmem:$0xA200] =	vst v63  }
0x2f: {  	_ =	swait.ge [sflag:s9], $0x640  }
0x30: {  	[sflag:s9] =	ssyncset.done $0x0  }
0x31: {  	[sflag:s9] =	ssyncadd.s32 $0xFFFFF9C0  }
0x32: {  	[tilespmem:s21], [sflag:$0x2] =	stream.indirect.gather.add.f32 [hbm:s5], $0x20, s29, s18, $0xb8;
	[tilespmem:$0xA200] =	vst v63  }
0x33: {  	_ =	swait.ge [sflag:s10], $0x640  }
0x34: {  	[sflag:s10] =	ssyncset.done $0x0  }
0x35: {  	[sflag:s10] =	ssyncadd.s32 $0xFFFFF9C0  }
0x36: {  	[tilespmem:s23], [sflag:$0x3] =	stream.indirect.gather.add.f32 [hbm:s5], $0x20, s2, s18, $0xb8;
	[tilespmem:$0xA200] =	vst v63  }
0x37: {  	_ =	swait.ge [sflag:s11], $0x640  }
0x38: {  	[sflag:s11] =	ssyncset.done $0x0  }
0x39: {  	[sflag:s11] =	ssyncadd.s32 $0xFFFFF9C0  }
0x3a: {  	[tilespmem:s25], [sflag:$0x4] =	stream.indirect.gather.add.f32 [hbm:s5], $0x20, s16, s18, $0xb8;
	[tilespmem:$0xA200] =	vst v63  }
0x3b: {  	_ =	swait.ge [sflag:s12], $0x640  }
0x3c: {  	[sflag:s12] =	ssyncset.done $0x0  }
0x3d: {  	[sflag:s12] =	ssyncadd.s32 $0xFFFFF9C0  }
0x3e: {  	[tilespmem:s28], [sflag:$0x5] =	stream.indirect.gather.add.f32 [hbm:s5], $0x20, s17, s18, $0xb8;
	[tilespmem:$0xA200] =	vst v63  }
0x3f: {  	_ =	swait.ge [sflag:s13], $0x640  }
0x40: {  	[sflag:s13] =	ssyncset.done $0x0  }
0x41: {  	[sflag:s13] =	ssyncadd.s32 $0xFFFFF9C0  }
0x42: {  	[tilespmem:s30], [sflag:$0x6] =	stream.indirect.gather.add.f32 [hbm:s5], $0x20, s20, s18, $0xb8;
	[tilespmem:$0xA200] =	vst v63  }
0x43: {  	_ =	swait.ge [sflag:s14], $0x640  }
0x44: {  	[sflag:s14] =	ssyncset.done $0x0  }
0x45: {  	[sflag:s14] =	ssyncadd.s32 $0xFFFFF9C0  }
0x46: {  	[tilespmem:s1], [sflag:$0x7] =	stream.indirect.gather.add.f32 [hbm:s5], $0x20, s22, s18, $0xb8;
	[tilespmem:$0xA200] =	vst v63  }
0x47: {  	_ =	swait.ge [sflag:s15], $0x640  }
0x48: {  	[sflag:s15] =	ssyncset.done $0x0  }
0x49: {  	[sflag:s15] =	ssyncadd.s32 $0xFFFFF9C0  }
0x4a: {  	[tilespmem:s3], [sflag:$0x8] =	stream.indirect.gather.add.f32 [hbm:s5], $0x20, s24, s18, $0xb8;
	[tilespmem:$0xA200] =	vst v63  }
0x4b: {  	_ =	swait.ge [sflag:s8], $0x640  }
0x4c: {  	[sflag:s8] =	ssyncset.done $0x0  }
0x4d: {  	[sflag:s8] =	ssyncadd.s32 $0xFFFFF9C0  }
0x4e: {  	[tilespmem:s19], [sflag:$0x1] =	stream.indirect.gather.add.f32 [hbm:s6], $0x20, s7, s18, $0xb8;
	[tilespmem:$0xA200] =	vst v63  }
0x4f: {  	_ =	swait.ge [sflag:s9], $0x640  }
0x50: {  	[sflag:s9] =	ssyncset.done $0x0  }
0x51: {  	[sflag:s9] =	ssyncadd.s32 $0xFFFFF9C0  }
0x52: {  	[tilespmem:s21], [sflag:$0x2] =	stream.indirect.gather.add.f32 [hbm:s6], $0x20, s29, s18, $0xb8;
	[tilespmem:$0xA200] =	vst v63  }
0x53: {  	_ =	swait.ge [sflag:s10], $0x640  }
0x54: {  	[sflag:s10] =	ssyncset.done $0x0  }
0x55: {  	[sflag:s10] =	ssyncadd.s32 $0xFFFFF9C0  }
0x56: {  	[tilespmem:s23], [sflag:$0x3] =	stream.indirect.gather.add.f32 [hbm:s6], $0x20, s2, s18, $0xb8;
	[tilespmem:$0xA200] =	vst v63  }
0x57: {  	_ =	swait.ge [sflag:s11], $0x640  }
0x58: {  	[sflag:s11] =	ssyncset.done $0x0  }
0x59: {  	[sflag:s11] =	ssyncadd.s32 $0xFFFFF9C0  }
0x5a: {  	[tilespmem:s25], [sflag:$0x4] =	stream.indirect.gather.add.f32 [hbm:s6], $0x20, s16, s18, $0xb8;
	[tilespmem:$0xA200] =	vst v63  }
0x5b: {  	_ =	swait.ge [sflag:s12], $0x640  }
0x5c: {  	[sflag:s12] =	ssyncset.done $0x0  }
0x5d: {  	[sflag:s12] =	ssyncadd.s32 $0xFFFFF9C0  }
0x5e: {  	[tilespmem:s28], [sflag:$0x5] =	stream.indirect.gather.add.f32 [hbm:s6], $0x20, s17, s18, $0xb8;
	[tilespmem:$0xA200] =	vst v63  }
0x5f: {  	_ =	swait.ge [sflag:s13], $0x640  }
0x60: {  	[sflag:s13] =	ssyncset.done $0x0  }
0x61: {  	[sflag:s13] =	ssyncadd.s32 $0xFFFFF9C0  }
0x62: {  	[tilespmem:s30], [sflag:$0x6] =	stream.indirect.gather.add.f32 [hbm:s6], $0x20, s20, s18, $0xb8;
	[tilespmem:$0xA200] =	vst v63  }
0x63: {  	_ =	swait.ge [sflag:s14], $0x640  }
0x64: {  	[sflag:s14] =	ssyncset.done $0x0  }
0x65: {  	[sflag:s14] =	ssyncadd.s32 $0xFFFFF9C0  }
0x66: {  	[tilespmem:s1], [sflag:$0x7] =	stream.indirect.gather.add.f32 [hbm:s6], $0x20, s22, s18, $0xb8;
	[tilespmem:$0xA200] =	vst v63  }
0x67: {  	_ =	swait.ge [sflag:s15], $0x640  }
0x68: {  	[sflag:s15] =	ssyncset.done $0x0  }
0x69: {  	[sflag:s15] =	ssyncadd.s32 $0xFFFFF9C0  }
0x6a: {  	[tilespmem:s3], [sflag:$0x8] =	stream.indirect.gather.add.f32 [hbm:s6], $0x20, s24, s18, $0xb8;
	[tilespmem:$0xA200] =	vst v63  }
0x6b: {  	_ =	swait.ge [sflag:s8], $0x640  }
0x6c: {  	[sflag:s8] =	ssyncset.done $0x0  }
0x6d: {  	s26 =	rddreg [dreg:$0x4];
	[sflag:s8] =	ssyncadd.s32 $0xFFFFF9C0  }
0x6e: {  	s29 =	rddreg [dreg:$0x1]  }
0x6f: {  	s0 =	sadd.s32 s29, s26  }
0x70: {  	[hbm4b:s0+s7] =	stream.linear.scatter [tilespmem:s19], [sflag:$0x9], $0x640, $0x38;
	[tilespmem:$0xA200] =	vst v63  }
0x71: {  	_ =	swait.ge [sflag:s9], $0x640  }
0x72: {  	s2 =	rddreg [dreg:$0x3]  }
0x73: {  	[sflag:s9] =	ssyncset.done $0x0;
	s0 =	sadd.s32 s29, s2  }
0x74: {  	[sflag:s9] =	ssyncadd.s32 $0xFFFFF9C0;
	s16 =	sadd.s32 $0xC8, s0  }
0x75: {  	[hbm4b:s16+s7] =	stream.linear.scatter [tilespmem:s21], [sflag:$0xA], $0x640, $0x38;
	[tilespmem:$0xA200] =	vst v63  }
0x76: {  	_ =	swait.ge [sflag:s10], $0x640  }
0x77: {  	[sflag:s10] =	ssyncset.done $0x0  }
0x78: {  	s17 =	sadd.s32 $0x190, s0;
	[sflag:s10] =	ssyncadd.s32 $0xFFFFF9C0  }
0x79: {  	[hbm4b:s17+s7] =	stream.linear.scatter [tilespmem:s23], [sflag:$0xB], $0x640, $0x38;
	[tilespmem:$0xA200] =	vst v63  }
0x7a: {  	_ =	swait.ge [sflag:s11], $0x640  }
0x7b: {  	[sflag:s11] =	ssyncset.done $0x0  }
0x7c: {  	s20 =	sadd.s32 $0x258, s0;
	[sflag:s11] =	ssyncadd.s32 $0xFFFFF9C0  }
0x7d: {  	[hbm4b:s20+s7] =	stream.linear.scatter [tilespmem:s25], [sflag:$0xC], $0x640, $0x38;
	[tilespmem:$0xA200] =	vst v63  }
0x7e: {  	_ =	swait.ge [sflag:s12], $0x640  }
0x7f: {  	[sflag:s12] =	ssyncset.done $0x0  }
0x80: {  	s22 =	sadd.s32 $0x320, s0;
	[sflag:s12] =	ssyncadd.s32 $0xFFFFF9C0  }
0x81: {  	[hbm4b:s22+s7] =	stream.linear.scatter [tilespmem:s28], [sflag:$0xD], $0x640, $0x38;
	[tilespmem:$0xA200] =	vst v63  }
0x82: {  	_ =	swait.ge [sflag:s13], $0x640  }
0x83: {  	[sflag:s13] =	ssyncset.done $0x0  }
0x84: {  	s24 =	sadd.s32 $0x3E8, s0;
	[sflag:s13] =	ssyncadd.s32 $0xFFFFF9C0  }
0x85: {  	[hbm4b:s24+s7] =	stream.linear.scatter [tilespmem:s30], [sflag:$0xE], $0x640, $0x38;
	[tilespmem:$0xA200] =	vst v63  }
0x86: {  	_ =	swait.ge [sflag:s14], $0x640  }
0x87: {  	[sflag:s14] =	ssyncset.done $0x0  }
0x88: {  	s26 =	sadd.s32 $0x4B0, s0;
	[sflag:s14] =	ssyncadd.s32 $0xFFFFF9C0  }
0x89: {  	[hbm4b:s26+s7] =	stream.linear.scatter [tilespmem:s1], [sflag:$0xF], $0x640, $0x38;
	[tilespmem:$0xA200] =	vst v63  }
0x8a: {  	_ =	swait.ge [sflag:s15], $0x640  }
0x8b: {  	[sflag:s15] =	ssyncset.done $0x0  }
0x8c: {  	s0 =	sadd.s32 $0x578, s0;
	[sflag:s15] =	ssyncadd.s32 $0xFFFFF9C0  }
0x8d: {  	[hbm4b:s0+s7] =	stream.linear.scatter [tilespmem:s3], [sflag:$0x10], $0x640, $0x38;
	[tilespmem:$0xA200] =	vst v63  }
0x8e: {  	s7 =	simm.s32 $0x9  }
0x8f: {  	_ =	swait.ge [sflag:s7], $0x640  }
0x90: {  	[sflag:s7] =	ssyncset.done $0x0  }
0x91: {  	s16 =	simm.s32 $0xA;
	s0 =	simm.s32 $0x1C0;
	[sflag:s7] =	ssyncadd.s32 $0xFFFFF9C0  }
0x92: {  	[tilespmem:s19], [sflag:$0x1] =	stream.indirect.gather [hbm4b:s4+s18], $0x20, s0, s18, $0xb8;
	[tilespmem:$0xA200] =	vst v63  }
0x93: {  	_ =	swait.ge [sflag:s16], $0x640  }
0x94: {  	[sflag:s16] =	ssyncset.done $0x0  }
0x95: {  	s2 =	simm.s32 $0x1F8;
	s17 =	simm.s32 $0xB;
	[sflag:s16] =	ssyncadd.s32 $0xFFFFF9C0  }
0x96: {  	[tilespmem:s21], [sflag:$0x2] =	stream.indirect.gather [hbm4b:s4+s18], $0x20, s2, s18, $0xb8;
	[tilespmem:$0xA200] =	vst v63  }
0x97: {  	_ =	swait.ge [sflag:s17], $0x640  }
0x98: {  	[sflag:s17] =	ssyncset.done $0x0  }
0x99: {  	s20 =	simm.s32 $0xC;
	[sflag:s17] =	ssyncadd.s32 $0xFFFFF9C0;
	s17 =	simm.s32 $0x230  }
0x9a: {  	[tilespmem:s23], [sflag:$0x3] =	stream.indirect.gather [hbm4b:s4+s18], $0x20, s17, s18, $0xb8;
	[tilespmem:$0xA200] =	vst v63  }
0x9b: {  	_ =	swait.ge [sflag:s20], $0x640  }
0x9c: {  	[sflag:s20] =	ssyncset.done $0x0  }
0x9d: {  	s22 =	simm.s32 $0xD;
	[sflag:s20] =	ssyncadd.s32 $0xFFFFF9C0;
	s20 =	simm.s32 $0x268  }
0x9e: {  	[tilespmem:s25], [sflag:$0x4] =	stream.indirect.gather [hbm4b:s4+s18], $0x20, s20, s18, $0xb8;
	[tilespmem:$0xA200] =	vst v63  }
0x9f: {  	_ =	swait.ge [sflag:s22], $0x640  }
0xa0: {  	[sflag:s22] =	ssyncset.done $0x0  }
0xa1: {  	s24 =	simm.s32 $0xE;
	[sflag:s22] =	ssyncadd.s32 $0xFFFFF9C0;
	s22 =	simm.s32 $0x2A0  }
0xa2: {  	[tilespmem:s28], [sflag:$0x5] =	stream.indirect.gather [hbm4b:s4+s18], $0x20, s22, s18, $0xb8;
	[tilespmem:$0xA200] =	vst v63  }
0xa3: {  	_ =	swait.ge [sflag:s24], $0x640  }
0xa4: {  	[sflag:s24] =	ssyncset.done $0x0  }
0xa5: {  	s26 =	simm.s32 $0xF;
	[sflag:s24] =	ssyncadd.s32 $0xFFFFF9C0;
	s24 =	simm.s32 $0x2D8  }
0xa6: {  	[tilespmem:s30], [sflag:$0x6] =	stream.indirect.gather [hbm4b:s4+s18], $0x20, s24, s18, $0xb8;
	[tilespmem:$0xA200] =	vst v63  }
0xa7: {  	_ =	swait.ge [sflag:s26], $0x640  }
0xa8: {  	[sflag:s26] =	ssyncset.done $0x0  }
0xa9: {  	s7 =	simm.s32 $0x10;
	[sflag:s26] =	ssyncadd.s32 $0xFFFFF9C0;
	s26 =	simm.s32 $0x310  }
0xaa: {  	[tilespmem:s1], [sflag:$0x7] =	stream.indirect.gather [hbm4b:s4+s18], $0x20, s26, s18, $0xb8;
	[tilespmem:$0xA200] =	vst v63  }
0xab: {  	_ =	swait.ge [sflag:s7], $0x640  }
0xac: {  	[sflag:s7] =	ssyncset.done $0x0  }
0xad: {  	s16 =	simm.s32 $0x348;
	[sflag:s7] =	ssyncadd.s32 $0xFFFFF9C0  }
0xae: {  	[tilespmem:s3], [sflag:$0x8] =	stream.indirect.gather [hbm4b:s4+s18], $0x20, s16, s18, $0xb8;
	[tilespmem:$0xA200] =	vst v63  }
0xaf: {  	_ =	swait.ge [sflag:s8], $0x640  }
0xb0: {  	[sflag:s8] =	ssyncset.done $0x0  }
0xb1: {  	[sflag:s8] =	ssyncadd.s32 $0xFFFFF9C0  }
0xb2: {  	[tilespmem:s19], [sflag:$0x1] =	stream.indirect.gather.add.f32 [hbm:s5], $0x20, s0, s18, $0xb8;
	[tilespmem:$0xA200] =	vst v63  }
0xb3: {  	_ =	swait.ge [sflag:s9], $0x640  }
0xb4: {  	[sflag:s9] =	ssyncset.done $0x0  }
0xb5: {  	[sflag:s9] =	ssyncadd.s32 $0xFFFFF9C0  }
0xb6: {  	[tilespmem:s21], [sflag:$0x2] =	stream.indirect.gather.add.f32 [hbm:s5], $0x20, s2, s18, $0xb8;
	[tilespmem:$0xA200] =	vst v63  }
0xb7: {  	_ =	swait.ge [sflag:s10], $0x640  }
0xb8: {  	[sflag:s10] =	ssyncset.done $0x0  }
0xb9: {  	[sflag:s10] =	ssyncadd.s32 $0xFFFFF9C0  }
0xba: {  	[tilespmem:s23], [sflag:$0x3] =	stream.indirect.gather.add.f32 [hbm:s5], $0x20, s17, s18, $0xb8;
	[tilespmem:$0xA200] =	vst v63  }
0xbb: {  	_ =	swait.ge [sflag:s11], $0x640  }
0xbc: {  	[sflag:s11] =	ssyncset.done $0x0  }
0xbd: {  	[sflag:s11] =	ssyncadd.s32 $0xFFFFF9C0  }
0xbe: {  	[tilespmem:s25], [sflag:$0x4] =	stream.indirect.gather.add.f32 [hbm:s5], $0x20, s20, s18, $0xb8;
	[tilespmem:$0xA200] =	vst v63  }
0xbf: {  	_ =	swait.ge [sflag:s12], $0x640  }
0xc0: {  	[sflag:s12] =	ssyncset.done $0x0  }
0xc1: {  	[sflag:s12] =	ssyncadd.s32 $0xFFFFF9C0  }
0xc2: {  	[tilespmem:s28], [sflag:$0x5] =	stream.indirect.gather.add.f32 [hbm:s5], $0x20, s22, s18, $0xb8;
	[tilespmem:$0xA200] =	vst v63  }
0xc3: {  	_ =	swait.ge [sflag:s13], $0x640  }
0xc4: {  	[sflag:s13] =	ssyncset.done $0x0  }
0xc5: {  	[sflag:s13] =	ssyncadd.s32 $0xFFFFF9C0  }
0xc6: {  	[tilespmem:s30], [sflag:$0x6] =	stream.indirect.gather.add.f32 [hbm:s5], $0x20, s24, s18, $0xb8;
	[tilespmem:$0xA200] =	vst v63  }
0xc7: {  	_ =	swait.ge [sflag:s14], $0x640  }
0xc8: {  	[sflag:s14] =	ssyncset.done $0x0  }
0xc9: {  	[sflag:s14] =	ssyncadd.s32 $0xFFFFF9C0  }
0xca: {  	[tilespmem:s1], [sflag:$0x7] =	stream.indirect.gather.add.f32 [hbm:s5], $0x20, s26, s18, $0xb8;
	[tilespmem:$0xA200] =	vst v63  }
0xcb: {  	_ =	swait.ge [sflag:s15], $0x640  }
0xcc: {  	[sflag:s15] =	ssyncset.done $0x0  }
0xcd: {  	[sflag:s15] =	ssyncadd.s32 $0xFFFFF9C0  }
0xce: {  	[tilespmem:s3], [sflag:$0x8] =	stream.indirect.gather.add.f32 [hbm:s5], $0x20, s16, s18, $0xb8;
	[tilespmem:$0xA200] =	vst v63  }
0xcf: {  	_ =	swait.ge [sflag:s8], $0x640  }
0xd0: {  	[sflag:s8] =	ssyncset.done $0x0  }
0xd1: {  	[sflag:s8] =	ssyncadd.s32 $0xFFFFF9C0  }
0xd2: {  	[tilespmem:s19], [sflag:$0x1] =	stream.indirect.gather.add.f32 [hbm:s6], $0x20, s0, s18, $0xb8;
	[tilespmem:$0xA200] =	vst v63  }
0xd3: {  	_ =	swait.ge [sflag:s9], $0x640  }
0xd4: {  	[sflag:s9] =	ssyncset.done $0x0  }
0xd5: {  	[sflag:s9] =	ssyncadd.s32 $0xFFFFF9C0  }
0xd6: {  	[tilespmem:s21], [sflag:$0x2] =	stream.indirect.gather.add.f32 [hbm:s6], $0x20, s2, s18, $0xb8;
	[tilespmem:$0xA200] =	vst v63  }
0xd7: {  	_ =	swait.ge [sflag:s10], $0x640  }
0xd8: {  	[sflag:s10] =	ssyncset.done $0x0  }
0xd9: {  	[sflag:s10] =	ssyncadd.s32 $0xFFFFF9C0  }
0xda: {  	[tilespmem:s23], [sflag:$0x3] =	stream.indirect.gather.add.f32 [hbm:s6], $0x20, s17, s18, $0xb8;
	[tilespmem:$0xA200] =	vst v63  }
0xdb: {  	_ =	swait.ge [sflag:s11], $0x640  }
0xdc: {  	[sflag:s11] =	ssyncset.done $0x0  }
0xdd: {  	[sflag:s11] =	ssyncadd.s32 $0xFFFFF9C0  }
0xde: {  	[tilespmem:s25], [sflag:$0x4] =	stream.indirect.gather.add.f32 [hbm:s6], $0x20, s20, s18, $0xb8;
	[tilespmem:$0xA200] =	vst v63  }
0xdf: {  	_ =	swait.ge [sflag:s12], $0x640  }
0xe0: {  	[sflag:s12] =	ssyncset.done $0x0  }
0xe1: {  	[sflag:s12] =	ssyncadd.s32 $0xFFFFF9C0  }
0xe2: {  	[tilespmem:s28], [sflag:$0x5] =	stream.indirect.gather.add.f32 [hbm:s6], $0x20, s22, s18, $0xb8;
	[tilespmem:$0xA200] =	vst v63  }
0xe3: {  	_ =	swait.ge [sflag:s13], $0x640  }
0xe4: {  	[sflag:s13] =	ssyncset.done $0x0  }
0xe5: {  	[sflag:s13] =	ssyncadd.s32 $0xFFFFF9C0  }
0xe6: {  	[tilespmem:s30], [sflag:$0x6] =	stream.indirect.gather.add.f32 [hbm:s6], $0x20, s24, s18, $0xb8;
	[tilespmem:$0xA200] =	vst v63  }
0xe7: {  	_ =	swait.ge [sflag:s14], $0x640  }
0xe8: {  	[sflag:s14] =	ssyncset.done $0x0  }
0xe9: {  	[sflag:s14] =	ssyncadd.s32 $0xFFFFF9C0  }
0xea: {  	[tilespmem:s1], [sflag:$0x7] =	stream.indirect.gather.add.f32 [hbm:s6], $0x20, s26, s18, $0xb8;
	[tilespmem:$0xA200] =	vst v63  }
0xeb: {  	_ =	swait.ge [sflag:s15], $0x640  }
0xec: {  	[sflag:s15] =	ssyncset.done $0x0  }
0xed: {  	s31 =	sadd.s32 $0x640, s29;
	s0 =	simm.s32 $0x700;
	[sflag:s15] =	ssyncadd.s32 $0xFFFFF9C0  }
.LBB2_2:
0xee: {  	s3 =	simm.s32 $0x9BC0  }
0xef: {  	[tilespmem:s3], [sflag:$0x8] =	stream.indirect.gather.add.f32 [hbm:s6], $0x20, s16, s18, $0xb8;
	[tilespmem:$0xA200] =	vst v63  }
0xf0: {  	_ =	swait.ge [sflag:s8], $0x640  }
0xf1: {  	s21 =	simm.s32 $0x7000;
	s29 =	rddreg [dreg:$0x4];
	[sflag:s8] =	ssyncset.done $0x0  }
0xf2: {  	s19 =	simm.s32 $0x0;
	[sflag:s8] =	ssyncadd.s32 $0xFFFFF9C0;
	s16 =	sadd.s32 s31, s29  }
0xf3: {  	[hbm4b:s16+s19] =	stream.linear.scatter [tilespmem:s21], [sflag:$0x9], $0x640, $0x38;
	[tilespmem:$0xA200] =	vst v63  }
0xf4: {  	_ =	swait.ge [sflag:s9], $0x640  }
0xf5: {  	s30 =	rddreg [dreg:$0x3]  }
0xf6: {  	[sflag:s9] =	ssyncset.done $0x0;
	s16 =	sadd.s32 s31, s30  }
0xf7: {  	s23 =	simm.s32 $0x7640;
	[sflag:s9] =	ssyncadd.s32 $0xFFFFF9C0;
	s17 =	sadd.s32 $0xC8, s16  }
0xf8: {  	[hbm4b:s17+s19] =	stream.linear.scatter [tilespmem:s23], [sflag:$0xA], $0x640, $0x38;
	[tilespmem:$0xA200] =	vst v63  }
0xf9: {  	_ =	swait.ge [sflag:s10], $0x640  }
0xfa: {  	[sflag:s10] =	ssyncset.done $0x0  }
0xfb: {  	s25 =	simm.s32 $0x7C80;
	s1 =	sadd.s32 $0x190, s16;
	[sflag:s10] =	ssyncadd.s32 $0xFFFFF9C0  }
0xfc: {  	[hbm4b:s1+s19] =	stream.linear.scatter [tilespmem:s25], [sflag:$0xB], $0x640, $0x38;
	[tilespmem:$0xA200] =	vst v63  }
0xfd: {  	_ =	swait.ge [sflag:s11], $0x640  }
0xfe: {  	[sflag:s11] =	ssyncset.done $0x0  }
0xff: {  	s28 =	simm.s32 $0x82C0;
	s7 =	sadd.s32 $0x258, s16;
	[sflag:s11] =	ssyncadd.s32 $0xFFFFF9C0  }
0x100: {  	[hbm4b:s7+s19] =	stream.linear.scatter [tilespmem:s28], [sflag:$0xC], $0x640, $0x38;
	[tilespmem:$0xA200] =	vst v63  }
0x101: {  	_ =	swait.ge [sflag:s12], $0x640  }
0x102: {  	[sflag:s12] =	ssyncset.done $0x0  }
0x103: {  	s30 =	simm.s32 $0x8900;
	s20 =	sadd.s32 $0x320, s16;
	[sflag:s12] =	ssyncadd.s32 $0xFFFFF9C0  }
0x104: {  	[hbm4b:s20+s19] =	stream.linear.scatter [tilespmem:s30], [sflag:$0xD], $0x640, $0x38;
	[tilespmem:$0xA200] =	vst v63  }
0x105: {  	_ =	swait.ge [sflag:s13], $0x640  }
0x106: {  	[sflag:s13] =	ssyncset.done $0x0  }
0x107: {  	s22 =	sadd.s32 $0x3E8, s16;
	s1 =	simm.s32 $0x8F40;
	[sflag:s13] =	ssyncadd.s32 $0xFFFFF9C0  }
0x108: {  	[hbm4b:s22+s19] =	stream.linear.scatter [tilespmem:s1], [sflag:$0xE], $0x640, $0x38;
	[tilespmem:$0xA200] =	vst v63  }
0x109: {  	_ =	swait.ge [sflag:s14], $0x640  }
0x10a: {  	[sflag:s14] =	ssyncset.done $0x0  }
0x10b: {  	s24 =	sadd.s32 $0x4B0, s16;
	s7 =	simm.s32 $0x9580;
	[sflag:s14] =	ssyncadd.s32 $0xFFFFF9C0  }
0x10c: {  	[hbm4b:s24+s19] =	stream.linear.scatter [tilespmem:s7], [sflag:$0xF], $0x640, $0x38;
	[tilespmem:$0xA200] =	vst v63  }
0x10d: {  	_ =	swait.ge [sflag:s15], $0x640  }
0x10e: {  	[sflag:s15] =	ssyncset.done $0x0  }
0x10f: {  	s26 =	simm.s32 $0x9;
	s16 =	sadd.s32 $0x578, s16;
	[sflag:s15] =	ssyncadd.s32 $0xFFFFF9C0  }
0x110: {  	[hbm4b:s16+s19] =	stream.linear.scatter [tilespmem:s3], [sflag:$0x10], $0x640, $0x38;
	[tilespmem:$0xA200] =	vst v63  }
0x111: {  	s2 =	smov.u32 s0;
	_ =	swait.ge [sflag:s26], $0x640  }
0x112: {  	s16 =	sshra.s32 s2, $0x2;
	[sflag:s26] =	ssyncset.done $0x0  }
0x113: {  	s29 =	simm.s32 $0xA;
	s2 =	sadd.s32 $0x1C0, s16;
	[sflag:s26] =	ssyncadd.s32 $0xFFFFF9C0  }
0x114: {  	[tilespmem:s21], [sflag:$0x1] =	stream.indirect.gather [hbm4b:s4+s18], $0x20, s2, s18, $0xb8;
	[tilespmem:$0xA200] =	vst v63  }
0x115: {  	_ =	swait.ge [sflag:s29], $0x640  }
0x116: {  	[sflag:s29] =	ssyncset.done $0x0  }
0x117: {  	s20 =	simm.s32 $0xB;
	s17 =	sadd.s32 $0x1F8, s16;
	[sflag:s29] =	ssyncadd.s32 $0xFFFFF9C0  }
0x118: {  	[tilespmem:s23], [sflag:$0x2] =	stream.indirect.gather [hbm4b:s4+s18], $0x20, s17, s18, $0xb8;
	[tilespmem:$0xA200] =	vst v63  }
0x119: {  	_ =	swait.ge [sflag:s20], $0x640  }
0x11a: {  	[sflag:s20] =	ssyncset.done $0x0  }
0x11b: {  	s22 =	simm.s32 $0xC;
	[sflag:s20] =	ssyncadd.s32 $0xFFFFF9C0;
	s20 =	sadd.s32 $0x230, s16  }
0x11c: {  	[tilespmem:s25], [sflag:$0x3] =	stream.indirect.gather [hbm4b:s4+s18], $0x20, s20, s18, $0xb8;
	[tilespmem:$0xA200] =	vst v63  }
0x11d: {  	_ =	swait.ge [sflag:s22], $0x640  }
0x11e: {  	[sflag:s22] =	ssyncset.done $0x0  }
0x11f: {  	s24 =	simm.s32 $0xD;
	[sflag:s22] =	ssyncadd.s32 $0xFFFFF9C0;
	s22 =	sadd.s32 $0x268, s16  }
0x120: {  	[tilespmem:s28], [sflag:$0x4] =	stream.indirect.gather [hbm4b:s4+s18], $0x20, s22, s18, $0xb8;
	[tilespmem:$0xA200] =	vst v63  }
0x121: {  	_ =	swait.ge [sflag:s24], $0x640  }
0x122: {  	[sflag:s24] =	ssyncset.done $0x0  }
0x123: {  	s26 =	simm.s32 $0xE;
	[sflag:s24] =	ssyncadd.s32 $0xFFFFF9C0;
	s24 =	sadd.s32 $0x2A0, s16  }
0x124: {  	[tilespmem:s30], [sflag:$0x5] =	stream.indirect.gather [hbm4b:s4+s18], $0x20, s24, s18, $0xb8;
	[tilespmem:$0xA200] =	vst v63  }
0x125: {  	_ =	swait.ge [sflag:s26], $0x640  }
0x126: {  	[sflag:s26] =	ssyncset.done $0x0  }
0x127: {  	s29 =	simm.s32 $0xF;
	[sflag:s26] =	ssyncadd.s32 $0xFFFFF9C0;
	s26 =	sadd.s32 $0x2D8, s16  }
0x128: {  	[tilespmem:s1], [sflag:$0x6] =	stream.indirect.gather [hbm4b:s4+s18], $0x20, s26, s18, $0xb8;
	[tilespmem:$0xA200] =	vst v63  }
0x129: {  	_ =	swait.ge [sflag:s29], $0x640  }
0x12a: {  	[sflag:s29] =	ssyncset.done $0x0  }
0x12b: {  	s19 =	simm.s32 $0x10;
	[sflag:s29] =	ssyncadd.s32 $0xFFFFF9C0;
	s29 =	sadd.s32 $0x310, s16  }
0x12c: {  	[tilespmem:s7], [sflag:$0x7] =	stream.indirect.gather [hbm4b:s4+s18], $0x20, s29, s18, $0xb8;
	[tilespmem:$0xA200] =	vst v63  }
0x12d: {  	_ =	swait.ge [sflag:s19], $0x640  }
0x12e: {  	[sflag:s19] =	ssyncset.done $0x0  }
0x12f: {  	s16 =	sadd.s32 $0x348, s16;
	[sflag:s19] =	ssyncadd.s32 $0xFFFFF9C0  }
0x130: {  	[tilespmem:s3], [sflag:$0x8] =	stream.indirect.gather [hbm4b:s4+s18], $0x20, s16, s18, $0xb8;
	[tilespmem:$0xA200] =	vst v63  }
0x131: {  	_ =	swait.ge [sflag:s8], $0x640  }
0x132: {  	[sflag:s8] =	ssyncset.done $0x0  }
0x133: {  	[sflag:s8] =	ssyncadd.s32 $0xFFFFF9C0  }
0x134: {  	[tilespmem:s21], [sflag:$0x1] =	stream.indirect.gather.add.f32 [hbm:s5], $0x20, s2, s18, $0xb8;
	[tilespmem:$0xA200] =	vst v63  }
0x135: {  	_ =	swait.ge [sflag:s9], $0x640  }
0x136: {  	[sflag:s9] =	ssyncset.done $0x0  }
0x137: {  	[sflag:s9] =	ssyncadd.s32 $0xFFFFF9C0  }
0x138: {  	[tilespmem:s23], [sflag:$0x2] =	stream.indirect.gather.add.f32 [hbm:s5], $0x20, s17, s18, $0xb8;
	[tilespmem:$0xA200] =	vst v63  }
0x139: {  	_ =	swait.ge [sflag:s10], $0x640  }
0x13a: {  	[sflag:s10] =	ssyncset.done $0x0  }
0x13b: {  	[sflag:s10] =	ssyncadd.s32 $0xFFFFF9C0  }
0x13c: {  	[tilespmem:s25], [sflag:$0x3] =	stream.indirect.gather.add.f32 [hbm:s5], $0x20, s20, s18, $0xb8;
	[tilespmem:$0xA200] =	vst v63  }
0x13d: {  	_ =	swait.ge [sflag:s11], $0x640  }
0x13e: {  	[sflag:s11] =	ssyncset.done $0x0  }
0x13f: {  	[sflag:s11] =	ssyncadd.s32 $0xFFFFF9C0  }
0x140: {  	[tilespmem:s28], [sflag:$0x4] =	stream.indirect.gather.add.f32 [hbm:s5], $0x20, s22, s18, $0xb8;
	[tilespmem:$0xA200] =	vst v63  }
0x141: {  	_ =	swait.ge [sflag:s12], $0x640  }
0x142: {  	[sflag:s12] =	ssyncset.done $0x0  }
0x143: {  	[sflag:s12] =	ssyncadd.s32 $0xFFFFF9C0  }
0x144: {  	[tilespmem:s30], [sflag:$0x5] =	stream.indirect.gather.add.f32 [hbm:s5], $0x20, s24, s18, $0xb8;
	[tilespmem:$0xA200] =	vst v63  }
0x145: {  	_ =	swait.ge [sflag:s13], $0x640  }
0x146: {  	[sflag:s13] =	ssyncset.done $0x0  }
0x147: {  	[sflag:s13] =	ssyncadd.s32 $0xFFFFF9C0  }
0x148: {  	[tilespmem:s1], [sflag:$0x6] =	stream.indirect.gather.add.f32 [hbm:s5], $0x20, s26, s18, $0xb8;
	[tilespmem:$0xA200] =	vst v63  }
0x149: {  	_ =	swait.ge [sflag:s14], $0x640  }
0x14a: {  	[sflag:s14] =	ssyncset.done $0x0  }
0x14b: {  	[sflag:s14] =	ssyncadd.s32 $0xFFFFF9C0  }
0x14c: {  	[tilespmem:s7], [sflag:$0x7] =	stream.indirect.gather.add.f32 [hbm:s5], $0x20, s29, s18, $0xb8;
	[tilespmem:$0xA200] =	vst v63  }
0x14d: {  	_ =	swait.ge [sflag:s15], $0x640  }
0x14e: {  	[sflag:s15] =	ssyncset.done $0x0  }
0x14f: {  	[sflag:s15] =	ssyncadd.s32 $0xFFFFF9C0  }
0x150: {  	[tilespmem:s3], [sflag:$0x8] =	stream.indirect.gather.add.f32 [hbm:s5], $0x20, s16, s18, $0xb8;
	[tilespmem:$0xA200] =	vst v63  }
0x151: {  	_ =	swait.ge [sflag:s8], $0x640  }
0x152: {  	[sflag:s8] =	ssyncset.done $0x0  }
0x153: {  	[sflag:s8] =	ssyncadd.s32 $0xFFFFF9C0  }
0x154: {  	[tilespmem:s21], [sflag:$0x1] =	stream.indirect.gather.add.f32 [hbm:s6], $0x20, s2, s18, $0xb8;
	[tilespmem:$0xA200] =	vst v63  }
0x155: {  	_ =	swait.ge [sflag:s9], $0x640  }
0x156: {  	[sflag:s9] =	ssyncset.done $0x0  }
0x157: {  	[sflag:s9] =	ssyncadd.s32 $0xFFFFF9C0  }
0x158: {  	[tilespmem:s23], [sflag:$0x2] =	stream.indirect.gather.add.f32 [hbm:s6], $0x20, s17, s18, $0xb8;
	[tilespmem:$0xA200] =	vst v63  }
0x159: {  	_ =	swait.ge [sflag:s10], $0x640  }
0x15a: {  	[sflag:s10] =	ssyncset.done $0x0  }
0x15b: {  	[sflag:s10] =	ssyncadd.s32 $0xFFFFF9C0  }
0x15c: {  	[tilespmem:s25], [sflag:$0x3] =	stream.indirect.gather.add.f32 [hbm:s6], $0x20, s20, s18, $0xb8;
	[tilespmem:$0xA200] =	vst v63  }
0x15d: {  	_ =	swait.ge [sflag:s11], $0x640  }
0x15e: {  	[sflag:s11] =	ssyncset.done $0x0  }
0x15f: {  	[sflag:s11] =	ssyncadd.s32 $0xFFFFF9C0  }
0x160: {  	[tilespmem:s28], [sflag:$0x4] =	stream.indirect.gather.add.f32 [hbm:s6], $0x20, s22, s18, $0xb8;
	[tilespmem:$0xA200] =	vst v63  }
0x161: {  	_ =	swait.ge [sflag:s12], $0x640  }
0x162: {  	[sflag:s12] =	ssyncset.done $0x0  }
0x163: {  	[sflag:s12] =	ssyncadd.s32 $0xFFFFF9C0  }
0x164: {  	[tilespmem:s30], [sflag:$0x5] =	stream.indirect.gather.add.f32 [hbm:s6], $0x20, s24, s18, $0xb8;
	[tilespmem:$0xA200] =	vst v63  }
0x165: {  	_ =	swait.ge [sflag:s13], $0x640  }
0x166: {  	[sflag:s13] =	ssyncset.done $0x0  }
0x167: {  	[sflag:s13] =	ssyncadd.s32 $0xFFFFF9C0  }
0x168: {  	[tilespmem:s1], [sflag:$0x6] =	stream.indirect.gather.add.f32 [hbm:s6], $0x20, s26, s18, $0xb8;
	[tilespmem:$0xA200] =	vst v63  }
0x169: {  	p0 =	sne.s32 s0, $0x1B200;
	_ =	swait.ge [sflag:s14], $0x640  }
0x16a: {  	s0 =	sadd.s32 $0x700, s0;
	s31 =	sadd.s32 $0x640, s31;
	[sflag:s14] =	ssyncset.done $0x0  }
.Ltmp0:
0x16b: {  	s19 =	simm.s32 $0x7000;
	[sflag:s14] =	ssyncadd.s32 $0xFFFFF9C0;
	(pc) =	sbr.rel @p0 .LBB2_2-.Ltmp0, $4  }
0x16c: {  	[tilespmem:s7], [sflag:$0x7] =	stream.indirect.gather.add.f32 [hbm:s6], $0x20, s29, s18, $0xb8;
	[tilespmem:$0xA200] =	vst v63  }
0x16d: {  	s2 =	simm.s32 $0x7640;
	s21 =	simm.s32 $0x8900;
	_ =	swait.ge [sflag:s15], $0x640  }
0x16e: {  	s17 =	simm.s32 $0x7C80;
	s20 =	simm.s32 $0x82C0;
	[sflag:s15] =	ssyncset.done $0x0  }
0x16f: {  	s22 =	simm.s32 $0x8F40;
	s1 =	simm.s32 $0x9580;
	[sflag:s15] =	ssyncadd.s32 $0xFFFFF9C0  }
0x170: {  	s3 =	simm.s32 $0x9BC0  }
0x171: {  	[tilespmem:s3], [sflag:$0x8] =	stream.indirect.gather.add.f32 [hbm:s6], $0x20, s16, s18, $0xb8;
	[tilespmem:$0xA200] =	vst v63  }
0x172: {  	_ =	swait.ge [sflag:s8], $0x640  }
0x173: {  	[sflag:s8] =	ssyncset.done $0x0  }
0x174: {  	s7 =	simm.s32 $0x0;
	s0 =	rddreg [dreg:$0x6];
	[sflag:s8] =	ssyncadd.s32 $0xFFFFF9C0  }
0x175: {  	[hbm4b:s0+s7] =	stream.linear.scatter [tilespmem:s19], [sflag:$0x9], $0x640, $0x38;
	[tilespmem:$0xA200] =	vst v63  }
0x176: {  	_ =	swait.ge [sflag:s9], $0x640  }
0x177: {  	[sflag:s9] =	ssyncset.done $0x0  }
0x178: {  	s30 =	rddreg [dreg:$0x7];
	[sflag:s9] =	ssyncadd.s32 $0xFFFFF9C0  }
0x179: {  	[hbm4b:s30+s7] =	stream.linear.scatter [tilespmem:s2], [sflag:$0xA], $0x640, $0x38;
	[tilespmem:$0xA200] =	vst v63  }
0x17a: {  	_ =	swait.ge [sflag:s10], $0x640  }
0x17b: {  	[sflag:s10] =	ssyncset.done $0x0  }
0x17c: {  	s31 =	rddreg [dreg:$0x8];
	[sflag:s10] =	ssyncadd.s32 $0xFFFFF9C0  }
0x17d: {  	[hbm4b:s31+s7] =	stream.linear.scatter [tilespmem:s17], [sflag:$0xB], $0x640, $0x38;
	[tilespmem:$0xA200] =	vst v63  }
0x17e: {  	_ =	swait.ge [sflag:s11], $0x640  }
0x17f: {  	[sflag:s11] =	ssyncset.done $0x0  }
0x180: {  	s2 =	rddreg [dreg:$0x9];
	[sflag:s11] =	ssyncadd.s32 $0xFFFFF9C0  }
0x181: {  	[hbm4b:s2+s7] =	stream.linear.scatter [tilespmem:s20], [sflag:$0xC], $0x640, $0x38;
	[tilespmem:$0xA200] =	vst v63  }
0x182: {  	_ =	swait.ge [sflag:s12], $0x640  }
0x183: {  	[sflag:s12] =	ssyncset.done $0x0  }
0x184: {  	s16 =	rddreg [dreg:$0xa];
	[sflag:s12] =	ssyncadd.s32 $0xFFFFF9C0  }
0x185: {  	[hbm4b:s16+s7] =	stream.linear.scatter [tilespmem:s21], [sflag:$0xD], $0x640, $0x38;
	[tilespmem:$0xA200] =	vst v63  }
0x186: {  	_ =	swait.ge [sflag:s13], $0x640  }
0x187: {  	[sflag:s13] =	ssyncset.done $0x0  }
0x188: {  	s17 =	rddreg [dreg:$0xb];
	[sflag:s13] =	ssyncadd.s32 $0xFFFFF9C0  }
0x189: {  	[hbm4b:s17+s7] =	stream.linear.scatter [tilespmem:s22], [sflag:$0xE], $0x640, $0x38;
	[tilespmem:$0xA200] =	vst v63  }
0x18a: {  	_ =	swait.ge [sflag:s14], $0x640  }
0x18b: {  	[sflag:s14] =	ssyncset.done $0x0  }
0x18c: {  	s19 =	rddreg [dreg:$0xc];
	[sflag:s14] =	ssyncadd.s32 $0xFFFFF9C0  }
0x18d: {  	[hbm4b:s19+s7] =	stream.linear.scatter [tilespmem:s1], [sflag:$0xF], $0x640, $0x38;
	[tilespmem:$0xA200] =	vst v63  }
0x18e: {  	_ =	swait.ge [sflag:s15], $0x640  }
0x18f: {  	[sflag:s15] =	ssyncset.done $0x0  }
0x190: {  	s21 =	simm.s32 $0x9;
	s20 =	rddreg [dreg:$0xd];
	[sflag:s15] =	ssyncadd.s32 $0xFFFFF9C0  }
0x191: {  	[hbm4b:s20+s7] =	stream.linear.scatter [tilespmem:s3], [sflag:$0x10], $0x640, $0x38;
	[tilespmem:$0xA200] =	vst v63  }
0x192: {  	_ =	swait.ge [sflag:s21], $0x640  }
0x193: {  	[sflag:s21] =	ssyncset.done $0x0  }
0x194: {  	s22 =	simm.s32 $0xA;
	[sflag:s21] =	ssyncadd.s32 $0xFFFFF9C0  }
0x195: {  	_ =	swait.ge [sflag:s22], $0x640  }
0x196: {  	[sflag:s22] =	ssyncset.done $0x0  }
0x197: {  	s23 =	simm.s32 $0xB;
	[sflag:s22] =	ssyncadd.s32 $0xFFFFF9C0  }
0x198: {  	_ =	swait.ge [sflag:s23], $0x640  }
0x199: {  	[sflag:s23] =	ssyncset.done $0x0  }
0x19a: {  	s24 =	simm.s32 $0xC;
	[sflag:s23] =	ssyncadd.s32 $0xFFFFF9C0  }
0x19b: {  	_ =	swait.ge [sflag:s24], $0x640  }
0x19c: {  	[sflag:s24] =	ssyncset.done $0x0  }
0x19d: {  	s25 =	simm.s32 $0xD;
	[sflag:s24] =	ssyncadd.s32 $0xFFFFF9C0  }
0x19e: {  	_ =	swait.ge [sflag:s25], $0x640  }
0x19f: {  	[sflag:s25] =	ssyncset.done $0x0  }
0x1a0: {  	s26 =	simm.s32 $0xE;
	[sflag:s25] =	ssyncadd.s32 $0xFFFFF9C0  }
0x1a1: {  	_ =	swait.ge [sflag:s26], $0x640  }
0x1a2: {  	[sflag:s26] =	ssyncset.done $0x0  }
0x1a3: {  	s28 =	simm.s32 $0xF;
	[sflag:s26] =	ssyncadd.s32 $0xFFFFF9C0  }
0x1a4: {  	_ =	swait.ge [sflag:s28], $0x640  }
0x1a5: {  	[sflag:s28] =	ssyncset.done $0x0  }
0x1a6: {  	s29 =	simm.s32 $0x10;
	[sflag:s28] =	ssyncadd.s32 $0xFFFFF9C0  }
0x1a7: {  	_ =	swait.ge [sflag:s29], $0x640  }
0x1a8: {  	s30 =	rddreg [dreg:$0xf]  }
0x1a9: {  	s31 =	rddreg [dreg:$0xe];
	s1 =	sadd.s32 $0x1, s30  }
0x1aa: {  	p0 =	sne.s32 s1, s31  }
.Ltmp1:
0x1ab: {  	_ = 	snop;
	(pc) =	sbr.rel @p0 .LBB2_1-.Ltmp1, $3  }
0x1ac: {  	_ =	sdelay $0x1  }
0x1ad: {  	[sflag:s29] =	ssyncset.done $0x0  }
0x1ae: {  	[sflag:s29] =	ssyncadd.s32 $0xFFFFF9C0  }
0x1af: {  	_ =	sfence.sel $0x180000  }
0x1b0: {  	[bflag:$0x0] =	sbarrier.arrive $0xFFFF  }
0x1b1: {  	_ =	strace $0x90000047  }
0x1b2: {  	s0 =	stileid.u32;
	[bflag:$0x2] =	sbarrier.arrive $0xFFFF  }
0x1b3: {  	p0 =	sne.s32 s0, $0x0;
	s0 =	rddreg [dreg:$0x2]  }
0x1b4: {  	s0 =	sadd.s32 @!p0 $0x100000, s0  }
0x1b5: {  	[sflag:s0] =	ssyncadd.tile.s32 @!p0 $0x1;
	_ =	shalt  }
.Lfunc_end2:
_tile_overlayer_lowered:
.L_overlay_start_2:
0x1b6: {  	(tag) =	ssettag $0x2  }
0x1b7: {  	s0 =	rddreg [dreg:$0x0];
	s2 =	stileid.u32  }
0x1b8: {  	s1 =	rddreg [dreg:$0x1];
	p0 =	sne.s32 s2, $0x0  }
0x1b9: {  	s3 =	rddreg [dreg:$0x2];
	[bflag:$0x3] =	sbarrier.arrive $0xFFFF;
	s2 =	simm.s32 @!p0 $0x1C11  }
0x1ba: {  	[timem:s3], [sflag:s2] =	dma.local @!p0 [hbm:s0], s1  }
0x1bb: {  	s0 =	simm.s32 @!p0 $0x11  }
0x1bc: {  	_ =	swait.ge @!p0 [sflag:s0], s1  }
0x1bd: {  	s1 =	ssub.s32 @!p0 $0x0, s1;
	[sflag:s0] =	ssyncset.done @!p0 $0x0  }
0x1be: {  	[sflag:s0] =	ssyncadd.s32 @!p0 s1  }
0x1bf: {  	[bflag:$0x3] =	sbarrier.arrive $0xFFFF  }
0x1c0: {  	_ =	shalt  }

// kernel: sparse-core-data-format-call.cloned.1.call-start
scs
called_computation_lowered:
.L_overlay_start_0:
0x0: {  	s2 =	sld [smem:$0x3FD9]  }
0x1: {  	s3 =	sld [smem:$0x3FFE];
	_ =	sdelay $0x1  }
0x2: {  	s1 =	srdreg.scid  }
0x3: {  	s0 =	sand.u32 $0x1, s1  }
0x4: {  	s18 =	sshll.u32 s0, $0xA;
	s2 =	sadd.s32 s3, s2  }
0x5: {  	s2 =	sadd.s32 s2, s18  }
0x6: {  	[smem:$0x3FC4] =	sst s2  }
0x7: {  	_ = 	snop  }
0x8: {  	s2 =	sld [smem:$0x3FD0];
	(tm) =	ssettm $0x1  }
0x9: {  	s19 =	sld [smem:$0x3FFB];
	_ =	sdelay $0x3  }
0xa: {  	_ =	strace s19  }
0xb: {  	s3 =	sld [smem:$0x3FFC];
	_ =	sdelay $0x3  }
0xc: {  	_ =	strace s3  }
0xd: {  	s3 =	sld [smem:$0x3FFD];
	_ =	sdelay $0x3  }
0xe: {  	_ =	strace s3  }
0xf: {  	_ =	strace $0x8FFFFFFF  }
0x10: {  	s20 =	sld [smem:$0x3FDB];
	_ =	sdelay $0x1  }
0x11: {  	s4 =	simm.s32 $_scs_section_size  }
0x12: {  	s5 =	simm.s32 $_size__tile_overlayer_lowered;
	s6 =	simm.s32 $_tile_overlayer_lowered  }
0x13: {  	s23 =	simm.s32 $0x1BFF;
	s22 =	sshll.u32 s6, $0x1;
	s3 =	sadd.s32 s4, s20  }
0x14: {  	s7 =	simm.s32 $0x0;
	s21 =	sshll.u32 s5, $0x1;
	s5 =	sadd.s32 s22, s3  }
0x15: {  	[timem:s7], [sflag:s23] =	dma.local [hbm:s5], s21  }
0x16: {  	_ =	swait.ge [sflag:s23], s21  }
0x17: {  	s4 =	ssub.s32 $0x0, s21;
	[sflag:s23] =	ssyncset.done $0x0  }
0x18: {  	[sflag:s23] =	ssyncadd.s32 s4;
	_ =	sdelay $0x1  }
0x19: {  	s24 =	simm.s32 $0x1B8B  }
0x1a: {  	_ =	swait.ge [sflag:s24], $0x1  }
0x1b: {  	[sflag:s24] =	ssyncset.done $0x0  }
0x1c: {  	s26 =	simm.s32 $0x1B8E;
	s25 =	sld [smem:$0x3FFE];
	[sflag:s24] =	ssyncadd.s32 $0xFFFFFFFF  }
0x1d: {  	s27 =	simm.s32 $execute0_lowered;
	[smem:$0x3FD2] =	sst s26  }
0x1e: {  	s5 =	sshll.u32 s27, $0x1;
	_ =	strace $0x80000049;
	[dreg:$0x1] =	wrdreg $0xFFFFFFFF  }
0x1f: {  	s28 =	simm.s32 $_size_execute0_lowered;
	s3 =	sadd.s32 s3, s5;
	[dreg:$0x0] =	wrdreg $0x0  }
0x20: {  	s5 =	sshll.u32 s28, $0x1;
	[dreg:$0x2] =	wrdreg s3  }
0x21: {  	[dreg:$0x3] =	wrdreg s5  }
0x22: {  	[dreg:$0x4] =	wrdreg $0xC0  }
0x23: {  	_ =	task [dreg:s7], $0x5FFFF  }
0x24: {  	[dreg:$0x1] =	wrdreg $0xFFFFFFFF  }
0x25: {  	[dreg:$0x0] =	wrdreg $0x60  }
0x26: {  	[dreg:$0x2] =	wrdreg s25  }
0x27: {  	[dreg:$0x3] =	wrdreg s2  }
0x28: {  	[dreg:$0x4] =	wrdreg $0x9  }
0x29: {  	_ =	task.clear_ibuf [dreg:s7], $0x5FFFF;
	_ =	strace $0x90000049  }
0x2a: {  	s29 =	simm.s32 $0x9;
	_ =	strace $0x8000004B  }
0x2b: {  	_ =	swait.ge [sflag:s29], $0x1  }
0x2c: {  	[sflag:s29] =	ssyncadd.s32 $0xFFFFFFFF  }
0x2d: {  	_ =	strace $0x9000004B  }
0x2e: {  	_ =	sfence  }
0x2f: {  	s30 =	sld [smem:$0x0];
	_ =	sdelay $0x2  }
0x30: {  	s31 =	sshll.u32 s1, $0xD;
	s1 =	sshrl.u32 s1, $0x2  }
0x31: {  	s3 =	sand.u32 $0x4000, s31;
	s1 =	sadd.s32 s1, s30  }
0x32: {  	s0 =	sor.u32 s3, s0;
	s1 =	sshll.u32 s1, $0x11  }
0x33: {  	s0 =	sor.u32 s1, s0  }
0x34: {  	s0 =	sadd.s32 $0x8F2B, s0  }
0x35: {  	[sflag:s0] =	ssyncadd.remote.s32 $0x1  }
0x36: {  	_ =	sfence.sel $0xFFFF  }
0x37: {  	[dreg:$0x0] =	wrdreg $0xFFFFFFFF;
	(pc) =	sbr.abs _section_cstart, $3  }
0x38: {  	[dreg:$0x1] =	wrdreg $0xFFFFFFFF  }
0x39: {  	_ =	task.clear_ibuf [dreg:s7], $0x2FFFF;
	_ =	strace $0x9FFFFFFF  }
0x3a: {  	(tm) =	ssettm $0x7FFFFFFF  }
0x3b: {  	_ =	shalt  }
tec
execute0_lowered:
.L_overlay_start_1:
0x0: {  	(tag) =	ssettag $0x1  }
0x1: {  	s0 =	srdreg.scid  }
0x2: {  	s1 =	sshll.u32 s0, $0x4  }
0x3: {  	s0 =	stileid.u32;
	s1 =	sand.u32 $0x10, s1  }
0x4: {  	s1 =	sor.u32 s0, s1  }
0x5: {  	s6 =	rddreg [dreg:$0x0];
	s4 =	simm.s32 $0x1;
	s2 =	sshll.u32 s1, $0x7  }
0x6: {  	s7 =	simm.s32 $0x2;
	s12 =	simm.s32 $0x0;
	s1 =	ssub.s32 $0x4000, s2  }
0x7: {  	s8 =	simm.s32 $0x20000;
	s13 =	simm.s32 $0x0;
	s3 =	sand.u32 $0xF80, s1  }
0x8: {  	s9 =	simm.s32 $0x0;
	s5 =	sshrl.u32 s1, $0xC;
	p0 =	sne.s32 s3, $0x0  }
.Ltmp0:
0x9: {  	s1 =	rddreg [dreg:$0x2];
	s4 =	simm.s32 @!p0 $0x0;
	(pc) =	sbr.rel .LBB1_1-.Ltmp0, $4  }
0xa: {  	s11 =	simm.s32 $0x0;
	s3 =	rddreg [dreg:$0x1];
	s5 =	sadd.s32 s4, s5  }
0xb: {  	_ =	strace $0x8000004A;
	s4 =	simm.s32 $0x1;
	s5 =	smul.u32 $0x32, s5  }
0xc: {  	s6 =	sadd.s32 $0xA00, s6;
	s10 =	smov.u32 s2;
	[sflag:s4] =	ssyncpa.u1 $0x0  }
0xd: {  	p0 =	por $0x0, $0x0;
	[sflag:s7] =	ssyncpa.u1 $0x0;
	s7 =	sor.u32 $0x1, s5  }
.LBB1_4:
0xe: {  	s16 =	sshll.u32 s13, $0x3;
	s17 =	sand.u32 $0x78, s13  }
0xf: {  	s30 =	sand.u32 $0xF800, s13;
	s12 =	sshll.u32 s12, $0x10;
	s16 =	sand.u32 $0x3C00, s16  }
0x10: {  	s31 =	sand.u32 $0x7, s13;
	s16 =	sor.u32 s17, s16;
	s17 =	sadd.s32 s3, s30  }
0x11: {  	s13 =	sshll.u32 s31, $0x12;
	s16 =	sshrl.u32 s16, $0x3;
	s12 =	sadd.s32 s12, s17  }
0x12: {  	[tilespmem:s15+$0x0 ss:$0x81] =	vst.msk $0xffff, v0;
	s13 =	sor.u32 $0x400, s13;
	s12 =	sadd.s32 s16, s12  }
0x13: {  	[hbm4b:s12+s13] =	stream.strided.scatter [tilespmem:s14], [sflag:$0x2], $0x1000, s8, s13, $0x20;
	[tilespmem:$0x4040] =	vst v63  }
.LBB1_5:
0x14: {  	s14 =	sadd.s32 $0x1, s9  }
0x15: {  	s12 =	sadd.s32 $0x1000, s10;
	s16 =	smov.u32 s10;
	p2 =	sgt.s32 s14, $0x31  }
0x16: {  	s16 =	smov.u32 @p2 s12  }
0x17: {  	s14 =	simm.s32 @p2 $0x0;
	p2 =	sgt.s32 s16, $0x3FFF  }
0x18: {  	s16 =	smov.u32 @p2 s2;
	p2 =	sne.s32 s11, s7  }
.Ltmp1:
0x19: {  	p1 =	slt.u32 s11, $0x2;
	(pc) =	sbr.rel @!p2 .LBB1_6-.Ltmp1, $4  }
0x1a: {  	s15 =	simm.s32 @!p1 $0x2  }
0x1b: {  	s13 =	smov.u32 s10;
	p0 =	por !p0, !p0;
	_ =	swait.ge @!p1 [sflag:s15], $0x1000  }
0x1c: {  	s12 =	smov.u32 s9;
	[sflag:s15] =	ssyncset.done @!p1 $0x0;
	s9 =	smov.u32 s14  }
0x1d: {  	s11 =	sadd.s32 $0x1, s11;
	[sflag:s15] =	ssyncadd.s32 @!p1 $0xFFFFF000;
	s10 =	smov.u32 s16  }
.LBB1_1:
0x1e: {  	p1 =	sge.u32 s11, s5  }
0x1f: {  	s14 =	sand.u32 @!p1 $0x1FFFFFF, s9  }
0x20: {  	s15 =	smulhi.u32 @!p1 $0x4924925, s14;
	_ =	sdelay $0x1  }
0x21: {  	s15 =	smul.u32 @!p1 $0x38, s15  }
0x22: {  	s16 =	sxor.u32 @!p1 $0xFFFFFFFF, s11;
	s17 =	smul.u32 @!p1 $0x380, s10  }
0x23: {  	s31 =	sadd.s32 $0xFFFFFFFF, s11;
	s16 =	sshll.u32 @!p1 s16, $0xC;
	s14 =	ssub.s32 @!p1 s14, s15  }
0x24: {  	s15 =	sand.u32 @!p1 $0x1000, s16;
	s16 =	sadd.s32 @!p1 s6, s17;
	s14 =	sshll.u32 @!p1 s14, $0x4  }
0x25: {  	s17 =	simm.s32 @!p1 $0x1C00;
	s14 =	sadd.s32 @!p1 s14, s16;
	s16 =	simm.s32 @!p1 $0x20  }
0x26: {  	[tilespmem:s15], [sflag:$0x1] =	stream.strided.gather @!p1 [hbm4b:s14+s16], $0x1000, s17, s16, $0x38;
	[tilespmem:$0x4040] =	vst v63  }
0x27: {  	p1 =	sge.u32 s31, s5  }
.Ltmp2:
0x28: {  	_ = 	snop;
	(pc) =	sbr.rel @p1 .LBB1_5-.Ltmp2, $1  }
0x29: {  	_ =	sdelay $0x3  }
0x2a: {  	s14 =	simm.s32 $0x1  }
0x2b: {  	_ =	swait.ge [sflag:s4], $0x1000;
	s14 =	simm.s32 @!p0 $0x0  }
0x2c: {  	[sflag:s4] =	ssyncset.done $0x0;
	s15 =	sshll.u32 s14, $0xC  }
0x2d: {  	[sflag:s4] =	ssyncadd.s32 $0xFFFFF000;
	s18 =	sor.u32 $0x10, s15  }
0x2e: {  	s14 =	smul.u32 $0x4080, s14;
	v1 =	vld [tilespmem:s18+$0x0]  }
0x2f: {  	s30 =	sand.u32 $0x1, s11;
	v0 =	vld [tilespmem:s18+$0xFFFFFFF0]  }
0x30: {  	s15 =	smul.u32 $0x4080, s30;
	s14 =	sshrl.u32 s14, $0x2  }
0x31: {  	s16 =	sor.u32 $0x2000, s14  }
0x32: {  	s31 =	sshrl.u32 s15, $0x2;
	s15 =	sadd.s32 $0x0, s16  }
0x33: {  	s17 =	simm.s32 $0x4;
	s18 =	sadd.s32 $0x20, s18;
	s14 =	sor.u32 $0x2000, s31;
	[tilespmem:s15+$0x810 ss:$0x81] =	vst.msk $0xffff, v1  }
.LBB1_3:
0x34: {  	v1 =	vld [tilespmem:s18+$0x0];
	p1 =	sne.s32 s17, $0x1FC;
	[tilespmem:s15+$0x0 ss:$0x81] =	vst.msk $0xffff, v0;
	s15 =	smov.u32 s17;
	s17 =	sadd.s32 $0x4, s17  }
.Ltmp3:
0x35: {  	v0 =	vld [tilespmem:s18+$0xFFFFFFF0];
	(pc) =	sbr.rel @p1 .LBB1_3-.Ltmp3, $4  }
0x36: {  	_ = 	snop  }
0x37: {  	s15 =	sshra.s32 s15, $0x2  }
0x38: {  	s15 =	sadd.s32 s15, s16  }
0x39: {  	s18 =	sadd.s32 $0x20, s18;
	[tilespmem:s15+$0x810 ss:$0x81] =	vst.msk $0xffff, v1  }
.Ltmp4:
0x3a: {  	_ = 	snop;
	(pc) =	sbr.rel .LBB1_4-.Ltmp4, $1  }
0x3b: {  	_ =	sdelay $0x3  }
.LBB1_6:
0x3c: {  	_ =	sfence.sel $0x180000  }
0x3d: {  	s2 =	simm.s32 $0x1;
	[bflag:$0x0] =	sbarrier.arrive $0xFFFF  }
0x3e: {  	s31 =	simm.s32 $0x2;
	[sflag:s2] =	ssyncpa.u1 $0x1  }
0x3f: {  	[sflag:s31] =	ssyncpa.u1 $0x1  }
0x40: {  	p0 =	sne.s32 s0, $0x0;
	_ =	strace $0x9000004A  }
0x41: {  	s0 =	sadd.s32 @!p0 $0x100000, s1;
	[bflag:$0x2] =	sbarrier.arrive $0xFFFF  }
0x42: {  	[sflag:s0] =	ssyncadd.tile.s32 @!p0 $0x1;
	_ =	shalt  }
.Lfunc_end1:
_tile_overlayer_lowered:
.L_overlay_start_2:
0x43: {  	(tag) =	ssettag $0x2  }
0x44: {  	s0 =	rddreg [dreg:$0x0];
	s2 =	stileid.u32  }
0x45: {  	s1 =	rddreg [dreg:$0x1];
	p0 =	sne.s32 s2, $0x0  }
0x46: {  	s3 =	rddreg [dreg:$0x2];
	[bflag:$0x3] =	sbarrier.arrive $0xFFFF;
	s2 =	simm.s32 @!p0 $0x1C01  }
0x47: {  	[timem:s3], [sflag:s2] =	dma.local @!p0 [hbm:s0], s1  }
0x48: {  	s0 =	simm.s32 @!p0 $0x1  }
0x49: {  	_ =	swait.ge @!p0 [sflag:s0], s1  }
0x4a: {  	s1 =	ssub.s32 @!p0 $0x0, s1;
	[sflag:s0] =	ssyncset.done @!p0 $0x0  }
0x4b: {  	[sflag:s0] =	ssyncadd.s32 @!p0 s1  }
0x4c: {  	[bflag:$0x3] =	sbarrier.arrive $0xFFFF  }
0x4d: {  	_ =	shalt  }

</sc_bundles>
